<compile_context>
chip_gen: v7x
topology: tpu7x:2x2x1
jax: 0.10.2.dev20260603
libtpu: 0.0.44.dev20260713+nightly
codegen_flags: <defaults>
</compile_context>

<pallas_src>
import jax
import jax.numpy as jnp
from jax import lax
from jax.experimental import pallas as pl
from jax.experimental.pallas import tpu as pltpu
from jax.experimental.pallas import tpu_sc as plsc

T = 2048
H = 1024
INTER = 1024
SI = 1024
E = 8
NSLOT = 2 * T
BM = 256
SPAD = NSLOT + E * BM
NTILES = SPAD // BM
NEG = -3.0e38


def _sc_num_cores_workers():
    try:
        info = plsc.get_sparse_core_info()
        return info.num_cores, info.num_cores * info.num_subcores
    except Exception:
        return 2, 32


_SC_NC, _NW = _sc_num_cores_workers()


def _lane_shift_right(m, k):
    return jnp.pad(m, ((0, 0), (k, 0)))[:, : m.shape[1]]


def _router_body(x_ref, rw_ref, v1_ref, v2_ref, pos_ref, te_ref):
    x = x_ref[...]
    rw = rw_ref[...]
    scores = lax.dot_general(x, rw, (((1,), (1,)), ((), ())),
                             preferred_element_type=jnp.float32)
    lane = lax.broadcasted_iota(jnp.int32, scores.shape, 1)
    m1 = jnp.max(scores, axis=1)
    i1 = jnp.min(jnp.where(scores == m1[:, None], lane, E), axis=1)
    masked = jnp.where(lane == i1[:, None], NEG, scores)
    m2 = jnp.max(masked, axis=1)
    i2 = jnp.min(jnp.where(masked == m2[:, None], lane, E), axis=1)
    v1_ref[...] = m1
    v2_ref[...] = m2

    erow = lax.broadcasted_iota(jnp.int32, (E, T), 0)
    m_a = (i1[None, :] == erow).astype(jnp.int32)
    m_b = (i2[None, :] == erow).astype(jnp.int32)
    m = jnp.concatenate([m_a, m_b], axis=1)

    run = m
    k = 1
    while k < NSLOT:
        run = run + _lane_shift_right(run, k)
        k *= 2
    rank = run - m
    counts = run[:, NSLOT - 1:NSLOT]
    padded = ((counts + (BM - 1)) // BM) * BM
    ps = jnp.pad(padded, ((1, 0), (0, 0)))[:E, :]
    ps = ps + jnp.pad(ps, ((1, 0), (0, 0)))[:E, :]
    ps = ps + jnp.pad(ps, ((2, 0), (0, 0)))[:E, :]
    ps = ps + jnp.pad(ps, ((4, 0), (0, 0)))[:E, :]
    pstart = ps

    pos_ref[...] = jnp.sum(m * (rank + pstart), axis=0)

    pend_tile = (pstart + padded) // BM
    tl = lax.broadcasted_iota(jnp.int32, (E, 128), 1)
    te = jnp.sum((tl >= pend_tile).astype(jnp.int32), axis=0)
    te_ref[...] = jnp.minimum(te, E - 1)


def _route(x2, router_w):
    return pl.pallas_call(
        _router_body,
        out_shape=(
            jax.ShapeDtypeStruct((T,), jnp.float32),
            jax.ShapeDtypeStruct((T,), jnp.float32),
            jax.ShapeDtypeStruct((NSLOT,), jnp.int32),
            jax.ShapeDtypeStruct((128,), jnp.int32),
        ),
    )(x2, router_w)


def _sc_dispatch(x2, pos, chunk):
    b_per_w = NSLOT // _NW
    n_chunks = b_per_w // chunk
    width = x2.shape[1]
    pos3 = pos.reshape(_NW, n_chunks, chunk)
    mesh = plsc.VectorSubcoreMesh(core_axis_name="c", subcore_axis_name="s")

    def body(x_hbm, pos_hbm, xs_hbm, idx_v, rows_v, sem):
        wid = lax.axis_index("s") * _SC_NC + lax.axis_index("c")
        tok_base = (wid * b_per_w) % T
        pltpu.sync_copy(pos_hbm.at[wid], idx_v)
        for c in range(n_chunks):
            pltpu.sync_copy(x_hbm.at[pl.ds(tok_base + c * chunk, chunk)], rows_v)
            pltpu.async_copy(rows_v, xs_hbm.at[idx_v.at[c]], sem).wait()

    return pl.kernel(
        body,
        out_type=jax.ShapeDtypeStruct((SPAD, width), jnp.float32),
        mesh=mesh,
        scratch_types=[
            pltpu.VMEM((n_chunks, chunk), jnp.int32),
            pltpu.VMEM((chunk, width), jnp.float32),
            pltpu.SemaphoreType.DMA,
        ],
    )(x2, pos3)


def _sc_gather(table, idx, chunk):
    n_rows = idx.shape[0]
    b_per_w = n_rows // _NW
    n_chunks = b_per_w // chunk
    width = table.shape[1]
    idx3 = idx.reshape(_NW, n_chunks, chunk)
    mesh = plsc.VectorSubcoreMesh(core_axis_name="c", subcore_axis_name="s")

    def body(table_hbm, idx_hbm, out_hbm, idx_v, rows_v, sem):
        wid = lax.axis_index("s") * _SC_NC + lax.axis_index("c")
        base = wid * b_per_w
        pltpu.sync_copy(idx_hbm.at[wid], idx_v)
        for c in range(n_chunks):
            pltpu.async_copy(table_hbm.at[idx_v.at[c]], rows_v, sem).wait()
            pltpu.sync_copy(rows_v, out_hbm.at[pl.ds(base + c * chunk, chunk)])

    return pl.kernel(
        body,
        out_type=jax.ShapeDtypeStruct((n_rows, width), jnp.float32),
        mesh=mesh,
        scratch_types=[
            pltpu.VMEM((n_chunks, chunk), jnp.int32),
            pltpu.VMEM((chunk, width), jnp.float32),
            pltpu.SemaphoreType.DMA,
        ],
    )(table, idx3)


def _bf16_rows_to_f32(a):
    n, w = a.shape
    return lax.bitcast_convert_type(a.reshape(n, w // 2, 2), jnp.float32)


def _f32_rows_to_bf16(a):
    n, w = a.shape
    return lax.bitcast_convert_type(a, jnp.bfloat16).reshape(n, 2 * w)


def _mlp(x, a, b, c):
    h1 = lax.dot_general(x, a, (((1,), (1,)), ((), ())),
                         preferred_element_type=jnp.float32)
    h3 = lax.dot_general(x, b, (((1,), (1,)), ((), ())),
                         preferred_element_type=jnp.float32)
    h = (h1 / (1.0 + jnp.exp(-h1)) * h3).astype(jnp.bfloat16)
    return lax.dot_general(h, c, (((1,), (1,)), ((), ())),
                           preferred_element_type=jnp.float32)


def _gmlp_body(te_ref, xs_ref, w1_ref, w3_ref, w2_ref, y_ref):
    xs = xs_ref[...].astype(jnp.bfloat16)
    y_ref[...] = _mlp(xs, w1_ref[0].astype(jnp.bfloat16),
                      w3_ref[0].astype(jnp.bfloat16),
                      w2_ref[0].astype(jnp.bfloat16))


def _grouped_mlp(tile_expert, xs, w1, w3, w2):
    grid_spec = pltpu.PrefetchScalarGridSpec(
        num_scalar_prefetch=1,
        grid=(NTILES,),
        in_specs=[
            pl.BlockSpec((BM, H), lambda i, te: (i, 0)),
            pl.BlockSpec((1, INTER, H), lambda i, te: (te[i], 0, 0)),
            pl.BlockSpec((1, INTER, H), lambda i, te: (te[i], 0, 0)),
            pl.BlockSpec((1, H, INTER), lambda i, te: (te[i], 0, 0)),
        ],
        out_specs=pl.BlockSpec((BM, H), lambda i, te: (i, 0)),
    )
    return pl.pallas_call(
        _gmlp_body,
        grid_spec=grid_spec,
        out_shape=jax.ShapeDtypeStruct((SPAD, H), jnp.float32),
    )(tile_expert, xs, w1, w3, w2)


def _shared_body(x_ref, sw1_ref, sw3_ref, sw2_ref, sh_ref):
    x = x_ref[...].astype(jnp.bfloat16)
    sh_ref[...] = _mlp(x, sw1_ref[...].astype(jnp.bfloat16),
                       sw3_ref[...].astype(jnp.bfloat16),
                       sw2_ref[...].astype(jnp.bfloat16))


def _shared(x2, sw1, sw3, sw2):
    nt = T // BM
    return pl.pallas_call(
        _shared_body,
        grid=(nt,),
        in_specs=[
            pl.BlockSpec((BM, H), lambda i: (i, 0)),
            pl.BlockSpec((SI, H), lambda i: (0, 0)),
            pl.BlockSpec((SI, H), lambda i: (0, 0)),
            pl.BlockSpec((H, SI), lambda i: (0, 0)),
        ],
        out_specs=pl.BlockSpec((BM, H), lambda i: (i, 0)),
        out_shape=jax.ShapeDtypeStruct((T, H), jnp.float32),
    )(x2, sw1, sw3, sw2)


BT = 256
def _combine_body(sh_ref, y1_ref, y2_ref, v1_ref, v2_ref, o_ref):
    o_ref[...] = (sh_ref[...] + v1_ref[...] * y1_ref[...]
                  + v2_ref[...] * y2_ref[...])


def _combine(sh, yg, v1, v2):
    nt = T // BT
    return pl.pallas_call(
        _combine_body,
        grid=(nt,),
        in_specs=[
            pl.BlockSpec((BT, H), lambda i: (i, 0)),
            pl.BlockSpec((BT, H), lambda i: (i, 0)),
            pl.BlockSpec((BT, H), lambda i: (i + nt, 0)),
            pl.BlockSpec((BT, 1), lambda i: (i, 0)),
            pl.BlockSpec((BT, 1), lambda i: (i, 0)),
        ],
        out_specs=pl.BlockSpec((BT, H), lambda i: (i, 0)),
        out_shape=jax.ShapeDtypeStruct((T, H), jnp.float32),
    )(sh, yg, yg, v1, v2)


def kernel(x, router_w, w1, w2, w3, sw1, sw2, sw3):
    orig_shape = x.shape
    x2 = x.reshape(T, H)
    v1, v2, pos, tile_expert = _route(x2, router_w)
    sh = _shared(x2, sw1, sw3, sw2)
    xs = _sc_dispatch(x2, pos, chunk=64)
    y = _grouped_mlp(tile_expert, xs, w1, w3, w2)
    yg = _sc_gather(y, pos, chunk=64)
    out = _combine(sh, yg, v1.reshape(T, 1), v2.reshape(T, 1))
    return out.reshape(orig_shape)

# --- scband reference (transcript-rebuilt; emitter-appended) ---
"""Pipeline reference for scband-mixture-of-experts-66967130079474 (READ-ONLY COPY).

The authoritative reference and input builder live on the scoring server;
editing this copy changes nothing except your own understanding.
"""

import jax, jax.numpy as jnp
import numpy as np

B, S, HIDDEN = 1, 2048, 1024
INTER = 1024
E = 8
TOPK = 2
SHARED_INTER = 1024
N_SHARED = 1
ROUTING_SCALE = 1.0


def setup_inputs(seed: int = 0) -> dict:
    key = jax.random.key(seed)
    ks = jax.random.split(key, 8)
    x = jax.random.normal(ks[0], (B, S, HIDDEN), dtype=jnp.float32)
    # router: nn.Linear(hidden, E, bias=False), init normal(0, 0.02); torch weight shape [E, hidden]
    router_w = jax.random.normal(ks[1], (E, HIDDEN), dtype=jnp.float32) * 0.02
    # expert MLP weights, xavier_uniform per torch init; stacked over experts
    lim = (6.0 / (HIDDEN + INTER)) ** 0.5
    w1 = jax.random.uniform(ks[2], (E, INTER, HIDDEN), dtype=jnp.float32, minval=-lim, maxval=lim)
    w2 = jax.random.uniform(ks[3], (E, HIDDEN, INTER), dtype=jnp.float32, minval=-lim / (2 ** 0.5), maxval=lim / (2 ** 0.5))
    w3 = jax.random.uniform(ks[4], (E, INTER, HIDDEN), dtype=jnp.float32, minval=-lim, maxval=lim)
    SI = SHARED_INTER * N_SHARED
    lims = (6.0 / (HIDDEN + SI)) ** 0.5
    sw1 = jax.random.uniform(ks[5], (SI, HIDDEN), dtype=jnp.float32, minval=-lims, maxval=lims)
    sw2 = jax.random.uniform(ks[6], (HIDDEN, SI), dtype=jnp.float32, minval=-lims / (2 ** 0.5), maxval=lims / (2 ** 0.5))
    sw3 = jax.random.uniform(ks[7], (SI, HIDDEN), dtype=jnp.float32, minval=-lims, maxval=lims)
    return {"x": x, "router_w": router_w, "w1": w1, "w2": w2, "w3": w3, "sw1": sw1, "sw2": sw2, "sw3": sw3}


def reference(x, router_w, w1, w2, w3, sw1, sw2, sw3):
    orig_shape = x.shape
    x2 = x.reshape(-1, HIDDEN)  # [T, H]
    # RoutingNetwork
    scores = x2 @ router_w.T  # [T, E]
    original_scores = jax.lax.stop_gradient(scores)  # detach().clone()
    probs = jax.nn.softmax(scores, axis=-1)
    top_k_scores, top_k_indices = jax.lax.top_k(probs, TOPK)  # [T, k]
    routing_weights = jnp.take_along_axis(original_scores, top_k_indices, axis=-1)  # gather from pre-softmax scores
    routing_weights = routing_weights * ROUTING_SCALE
    # combine weights per expert: [T, E]
    onehot = jax.nn.one_hot(top_k_indices, E, dtype=x2.dtype)  # [T, k, E]
    combine_w = jnp.einsum('tke,tk->te', onehot, routing_weights)
    # dense all-expert MLP (mathematically identical to masked dispatch since combine_w is 0 for unselected experts)
    h1 = jnp.einsum('th,eih->tei', x2, w1)
    h3 = jnp.einsum('th,eih->tei', x2, w3)
    h = jax.nn.silu(h1) * h3
    expert_out = jnp.einsum('tei,ehi->teh', h, w2)  # [T, E, H]
    moe_out = jnp.einsum('teh,te->th', expert_out, combine_w)
    # shared expert
    shared = (jax.nn.silu(x2 @ sw1.T) * (x2 @ sw3.T)) @ sw2.T
    moe_out = moe_out + shared
    return moe_out.reshape(orig_shape)

if __name__ == "__main__":
    import jax
    _d = setup_inputs()
    print(jax.jit(kernel)(*tuple(_d.values())))

</pallas_src>

<mosaic_0001>
#map = affine_map<(d0, d1) -> (0, 0)>
#map1 = affine_map<(d0, d1) -> (0, 0, 0)>
module attributes {stable_mosaic.version = 14 : i64} {
  func.func @body(%arg0: i32, %arg1: i32, %arg2: memref<2048x1024xf32, #tpu.memory_space<hbm>>, %arg3: memref<32x2x64xi32, #tpu.memory_space<hbm>>, %arg4: memref<6144x1024xf32, #tpu.memory_space<hbm>>, %arg5: memref<2x64xi32, #tpu.memory_space<vmem>>, %arg6: memref<64x1024xf32, #tpu.memory_space<vmem>>, %arg7: memref<!tpu.dma_semaphore, #tpu.memory_space<semaphore_mem>>) attributes {dimension_semantics = [#tpu.dimension_semantics<core_parallel>, #tpu.dimension_semantics<subcore_parallel>], iteration_bounds = array<i64: 2, 16>, scalar_prefetch = 0 : i64, scratch_operands = 3 : i64, tpu.core_type = #tpu.core_type<sc_vector_subcore>, window_params = [{transform_indices = #map}, {transform_indices = #map1}, {transform_indices = #map}]} {
    %mul3A = arith.constant 2 : i32
    %mul3A_0 = arith.muli %arg1, %mul3A : i32
    %add3A = arith.addi %mul3A_0, %arg0 : i32
    %mul3A_1 = arith.constant 128 : i32
    %mul3A_2 = arith.muli %add3A, %mul3A_1 : i32
    %jit3A = arith.constant 2048 : i32
    %eq3A = arith.constant 0 : i32
    %eq3A_3 = arith.cmpi eq, %jit3A, %eq3A : i32
    %jit3A_4 = arith.constant 1 : i32
    %select_n3A = arith.select %eq3A_3, %jit3A_4, %jit3A : i32
    %rem3A = arith.remsi %mul3A_2, %select_n3A : i32
    %ne3A = arith.constant 0 : i32
    %ne3A_5 = arith.cmpi ne, %rem3A, %ne3A : i32
    %lt3A = arith.constant 0 : i32
    %lt3A_6 = arith.cmpi slt, %rem3A, %lt3A : i32
    %lt3A_7 = arith.constant 0 : i32
    %lt3A_8 = arith.cmpi slt, %select_n3A, %lt3A_7 : i32
    %ne3A_9 = arith.xori %lt3A_6, %lt3A_8 : i1
    %and3A = arith.andi %ne3A_9, %ne3A_5 : i1
    %add3A_10 = arith.addi %rem3A, %select_n3A : i32
    %select_n3A_11 = arith.select %and3A, %add3A_10, %rem3A : i32
    "tpu.region"() ({
      %run_scoped3A = tpu.sem_alloc : memref<!tpu.dma_semaphore, #tpu.memory_space<semaphore_mem>>
      %dma_start3A_42 = arith.constant 0 : i32
      %dma_start3A_43 = arith.constant 0 : i32
      %dma_start3A_44 = tpu.memref_slice %arg3[%add3A, %dma_start3A_42, %dma_start3A_43] : memref<32x2x64xi32, #tpu.memory_space<hbm>> -> memref<1x2x64xi32, #tpu.memory_space<hbm>>
      %dma_start3A_45 = tpu.memref_squeeze %dma_start3A_44 : memref<1x2x64xi32, #tpu.memory_space<hbm>> -> memref<2x64xi32, #tpu.memory_space<hbm>>
      %dma_start3A_46 = arith.constant 0 : i32
      %dma_start3A_47 = arith.constant 0 : i32
      %dma_start3A_48 = tpu.memref_slice %arg3[%add3A, %dma_start3A_46, %dma_start3A_47] : memref<32x2x64xi32, #tpu.memory_space<hbm>> -> memref<1x2x64xi32, #tpu.memory_space<hbm>>
      %dma_start3A_49 = tpu.memref_squeeze %dma_start3A_48 : memref<1x2x64xi32, #tpu.memory_space<hbm>> -> memref<2x64xi32, #tpu.memory_space<hbm>>
      tpu.enqueue_dma source(%dma_start3A_49 : memref<2x64xi32, #tpu.memory_space<hbm>>) target(%arg5 : memref<2x64xi32, #tpu.memory_space<vmem>>) target_semaphore(%run_scoped3A : memref<!tpu.dma_semaphore, #tpu.memory_space<semaphore_mem>>)
      %dma_wait3A_50 = arith.constant 0 : i32
      %dma_wait3A_51 = arith.constant 0 : i32
      %dma_wait3A_52 = tpu.memref_slice %arg3[%add3A, %dma_wait3A_50, %dma_wait3A_51] : memref<32x2x64xi32, #tpu.memory_space<hbm>> -> memref<1x2x64xi32, #tpu.memory_space<hbm>>
      %dma_wait3A_53 = tpu.memref_squeeze %dma_wait3A_52 : memref<1x2x64xi32, #tpu.memory_space<hbm>> -> memref<2x64xi32, #tpu.memory_space<hbm>>
      %dma_wait3A_54 = arith.constant 0 : i32
      %dma_wait3A_55 = arith.constant 0 : i32
      %dma_wait3A_56 = tpu.memref_slice %arg3[%add3A, %dma_wait3A_54, %dma_wait3A_55] : memref<32x2x64xi32, #tpu.memory_space<hbm>> -> memref<1x2x64xi32, #tpu.memory_space<hbm>>
      %dma_wait3A_57 = tpu.memref_squeeze %dma_wait3A_56 : memref<1x2x64xi32, #tpu.memory_space<hbm>> -> memref<2x64xi32, #tpu.memory_space<hbm>>
      tpu.wait_dma2 semaphore(%run_scoped3A : memref<!tpu.dma_semaphore, #tpu.memory_space<semaphore_mem>>) src(%dma_wait3A_57 : memref<2x64xi32, #tpu.memory_space<hbm>>) dst(%arg5 : memref<2x64xi32, #tpu.memory_space<vmem>>)
      tpu.yield
    }) : () -> ()
    %add3A_12 = arith.constant 0 : i32
    %add3A_13 = arith.addi %select_n3A_11, %add3A_12 : i32
    "tpu.region"() ({
      %run_scoped3A = tpu.sem_alloc : memref<!tpu.dma_semaphore, #tpu.memory_space<semaphore_mem>>
      %dma_start3A_42 = arith.constant 0 : i32
      %dma_start3A_43 = tpu.memref_slice %arg2[%add3A_13, %dma_start3A_42] : memref<2048x1024xf32, #tpu.memory_space<hbm>> -> memref<64x1024xf32, #tpu.memory_space<hbm>>
      %dma_start3A_44 = arith.constant 0 : i32
      %dma_start3A_45 = tpu.memref_slice %arg2[%add3A_13, %dma_start3A_44] : memref<2048x1024xf32, #tpu.memory_space<hbm>> -> memref<64x1024xf32, #tpu.memory_space<hbm>>
      tpu.enqueue_dma source(%dma_start3A_45 : memref<64x1024xf32, #tpu.memory_space<hbm>>) target(%arg6 : memref<64x1024xf32, #tpu.memory_space<vmem>>) target_semaphore(%run_scoped3A : memref<!tpu.dma_semaphore, #tpu.memory_space<semaphore_mem>>)
      %dma_wait3A_46 = arith.constant 0 : i32
      %dma_wait3A_47 = tpu.memref_slice %arg2[%add3A_13, %dma_wait3A_46] : memref<2048x1024xf32, #tpu.memory_space<hbm>> -> memref<64x1024xf32, #tpu.memory_space<hbm>>
      %dma_wait3A_48 = arith.constant 0 : i32
      %dma_wait3A_49 = tpu.memref_slice %arg2[%add3A_13, %dma_wait3A_48] : memref<2048x1024xf32, #tpu.memory_space<hbm>> -> memref<64x1024xf32, #tpu.memory_space<hbm>>
      tpu.wait_dma2 semaphore(%run_scoped3A : memref<!tpu.dma_semaphore, #tpu.memory_space<semaphore_mem>>) src(%dma_wait3A_49 : memref<64x1024xf32, #tpu.memory_space<hbm>>) dst(%arg6 : memref<64x1024xf32, #tpu.memory_space<vmem>>)
      tpu.yield
    }) : () -> ()
    %dma_start3A = arith.constant 0 : i32
    %dma_start3A_14 = arith.constant 0 : i32
    %dma_start3A_15 = tpu.memref_slice %arg5[%dma_start3A, %dma_start3A_14] : memref<2x64xi32, #tpu.memory_space<vmem>> -> memref<1x64xi32, #tpu.memory_space<vmem>>
    %dma_start3A_16 = tpu.memref_squeeze %dma_start3A_15 : memref<1x64xi32, #tpu.memory_space<vmem>> -> memref<64xi32, #tpu.memory_space<vmem>>
    %dma_start3A_17 = arith.constant 0 : i32
    %dma_start3A_18 = arith.constant 0 : i32
    %dma_start3A_19 = tpu.memref_slice %arg4[%dma_start3A_17, %dma_start3A_18] : memref<6144x1024xf32, #tpu.memory_space<hbm>> -> memref<6144x1024xf32, #tpu.memory_space<hbm>>
    tpu.enqueue_indirect_dma source(%arg6 : memref<64x1024xf32, #tpu.memory_space<vmem>>) target(%dma_start3A_19 : memref<6144x1024xf32, #tpu.memory_space<hbm>>) offsets(%dma_start3A_16 : memref<64xi32, #tpu.memory_space<vmem>>) semaphore(%arg7 : memref<!tpu.dma_semaphore, #tpu.memory_space<semaphore_mem>>)
    %dma_wait3A = arith.constant 0 : i32
    %dma_wait3A_20 = arith.constant 0 : i32
    %dma_wait3A_21 = tpu.memref_slice %arg5[%dma_wait3A, %dma_wait3A_20] : memref<2x64xi32, #tpu.memory_space<vmem>> -> memref<1x64xi32, #tpu.memory_space<vmem>>
    %dma_wait3A_22 = tpu.memref_squeeze %dma_wait3A_21 : memref<1x64xi32, #tpu.memory_space<vmem>> -> memref<64xi32, #tpu.memory_space<vmem>>
    %dma_wait3A_23 = arith.constant 0 : i32
    %dma_wait3A_24 = arith.constant 0 : i32
    %dma_wait3A_25 = tpu.memref_slice %arg4[%dma_wait3A_23, %dma_wait3A_24] : memref<6144x1024xf32, #tpu.memory_space<hbm>> -> memref<6144x1024xf32, #tpu.memory_space<hbm>>
    tpu.wait_indirect_dma semaphore(%arg7 : memref<!tpu.dma_semaphore, #tpu.memory_space<semaphore_mem>>) src(%arg6 : memref<64x1024xf32, #tpu.memory_space<vmem>>) dst(%dma_wait3A_25 : memref<6144x1024xf32, #tpu.memory_space<hbm>>)
    %add3A_26 = arith.constant 64 : i32
    %add3A_27 = arith.addi %select_n3A_11, %add3A_26 : i32
    "tpu.region"() ({
      %run_scoped3A = tpu.sem_alloc : memref<!tpu.dma_semaphore, #tpu.memory_space<semaphore_mem>>
      %dma_start3A_42 = arith.constant 0 : i32
      %dma_start3A_43 = tpu.memref_slice %arg2[%add3A_27, %dma_start3A_42] : memref<2048x1024xf32, #tpu.memory_space<hbm>> -> memref<64x1024xf32, #tpu.memory_space<hbm>>
      %dma_start3A_44 = arith.constant 0 : i32
      %dma_start3A_45 = tpu.memref_slice %arg2[%add3A_27, %dma_start3A_44] : memref<2048x1024xf32, #tpu.memory_space<hbm>> -> memref<64x1024xf32, #tpu.memory_space<hbm>>
      tpu.enqueue_dma source(%dma_start3A_45 : memref<64x1024xf32, #tpu.memory_space<hbm>>) target(%arg6 : memref<64x1024xf32, #tpu.memory_space<vmem>>) target_semaphore(%run_scoped3A : memref<!tpu.dma_semaphore, #tpu.memory_space<semaphore_mem>>)
      %dma_wait3A_46 = arith.constant 0 : i32
      %dma_wait3A_47 = tpu.memref_slice %arg2[%add3A_27, %dma_wait3A_46] : memref<2048x1024xf32, #tpu.memory_space<hbm>> -> memref<64x1024xf32, #tpu.memory_space<hbm>>
      %dma_wait3A_48 = arith.constant 0 : i32
      %dma_wait3A_49 = tpu.memref_slice %arg2[%add3A_27, %dma_wait3A_48] : memref<2048x1024xf32, #tpu.memory_space<hbm>> -> memref<64x1024xf32, #tpu.memory_space<hbm>>
      tpu.wait_dma2 semaphore(%run_scoped3A : memref<!tpu.dma_semaphore, #tpu.memory_space<semaphore_mem>>) src(%dma_wait3A_49 : memref<64x1024xf32, #tpu.memory_space<hbm>>) dst(%arg6 : memref<64x1024xf32, #tpu.memory_space<vmem>>)
      tpu.yield
    }) : () -> ()
    %dma_start3A_28 = arith.constant 1 : i32
    %dma_start3A_29 = arith.constant 0 : i32
    %dma_start3A_30 = tpu.memref_slice %arg5[%dma_start3A_28, %dma_start3A_29] : memref<2x64xi32, #tpu.memory_space<vmem>> -> memref<1x64xi32, #tpu.memory_space<vmem>>
    %dma_start3A_31 = tpu.memref_squeeze %dma_start3A_30 : memref<1x64xi32, #tpu.memory_space<vmem>> -> memref<64xi32, #tpu.memory_space<vmem>>
    %dma_start3A_32 = arith.constant 0 : i32
    %dma_start3A_33 = arith.constant 0 : i32
    %dma_start3A_34 = tpu.memref_slice %arg4[%dma_start3A_32, %dma_start3A_33] : memref<6144x1024xf32, #tpu.memory_space<hbm>> -> memref<6144x1024xf32, #tpu.memory_space<hbm>>
    tpu.enqueue_indirect_dma source(%arg6 : memref<64x1024xf32, #tpu.memory_space<vmem>>) target(%dma_start3A_34 : memref<6144x1024xf32, #tpu.memory_space<hbm>>) offsets(%dma_start3A_31 : memref<64xi32, #tpu.memory_space<vmem>>) semaphore(%arg7 : memref<!tpu.dma_semaphore, #tpu.memory_space<semaphore_mem>>)
    %dma_wait3A_35 = arith.constant 1 : i32
    %dma_wait3A_36 = arith.constant 0 : i32
    %dma_wait3A_37 = tpu.memref_slice %arg5[%dma_wait3A_35, %dma_wait3A_36] : memref<2x64xi32, #tpu.memory_space<vmem>> -> memref<1x64xi32, #tpu.memory_space<vmem>>
    %dma_wait3A_38 = tpu.memref_squeeze %dma_wait3A_37 : memref<1x64xi32, #tpu.memory_space<vmem>> -> memref<64xi32, #tpu.memory_space<vmem>>
    %dma_wait3A_39 = arith.constant 0 : i32
    %dma_wait3A_40 = arith.constant 0 : i32
    %dma_wait3A_41 = tpu.memref_slice %arg4[%dma_wait3A_39, %dma_wait3A_40] : memref<6144x1024xf32, #tpu.memory_space<hbm>> -> memref<6144x1024xf32, #tpu.memory_space<hbm>>
    tpu.wait_indirect_dma semaphore(%arg7 : memref<!tpu.dma_semaphore, #tpu.memory_space<semaphore_mem>>) src(%arg6 : memref<64x1024xf32, #tpu.memory_space<vmem>>) dst(%dma_wait3A_41 : memref<6144x1024xf32, #tpu.memory_space<hbm>>)
    return
  }
}

#map = affine_map<(d0, d1) -> (0, 0)>
#map1 = affine_map<(d0, d1) -> (0, 0, 0)>
module attributes {stable_mosaic.version = 14 : i64} {
  func.func @body(%arg0: i32, %arg1: i32, %arg2: memref<6144x1024xf32, #tpu.memory_space<hbm>>, %arg3: memref<32x2x64xi32, #tpu.memory_space<hbm>>, %arg4: memref<4096x1024xf32, #tpu.memory_space<hbm>>, %arg5: memref<2x64xi32, #tpu.memory_space<vmem>>, %arg6: memref<64x1024xf32, #tpu.memory_space<vmem>>, %arg7: memref<!tpu.dma_semaphore, #tpu.memory_space<semaphore_mem>>) attributes {dimension_semantics = [#tpu.dimension_semantics<core_parallel>, #tpu.dimension_semantics<subcore_parallel>], iteration_bounds = array<i64: 2, 16>, scalar_prefetch = 0 : i64, scratch_operands = 3 : i64, tpu.core_type = #tpu.core_type<sc_vector_subcore>, window_params = [{transform_indices = #map}, {transform_indices = #map1}, {transform_indices = #map}]} {
    %mul3A = arith.constant 2 : i32
    %mul3A_0 = arith.muli %arg1, %mul3A : i32
    %add3A = arith.addi %mul3A_0, %arg0 : i32
    %mul3A_1 = arith.constant 128 : i32
    %mul3A_2 = arith.muli %add3A, %mul3A_1 : i32
    "tpu.region"() ({
      %run_scoped3A = tpu.sem_alloc : memref<!tpu.dma_semaphore, #tpu.memory_space<semaphore_mem>>
      %dma_start3A_33 = arith.constant 0 : i32
      %dma_start3A_34 = arith.constant 0 : i32
      %dma_start3A_35 = tpu.memref_slice %arg3[%add3A, %dma_start3A_33, %dma_start3A_34] : memref<32x2x64xi32, #tpu.memory_space<hbm>> -> memref<1x2x64xi32, #tpu.memory_space<hbm>>
      %dma_start3A_36 = tpu.memref_squeeze %dma_start3A_35 : memref<1x2x64xi32, #tpu.memory_space<hbm>> -> memref<2x64xi32, #tpu.memory_space<hbm>>
      %dma_start3A_37 = arith.constant 0 : i32
      %dma_start3A_38 = arith.constant 0 : i32
      %dma_start3A_39 = tpu.memref_slice %arg3[%add3A, %dma_start3A_37, %dma_start3A_38] : memref<32x2x64xi32, #tpu.memory_space<hbm>> -> memref<1x2x64xi32, #tpu.memory_space<hbm>>
      %dma_start3A_40 = tpu.memref_squeeze %dma_start3A_39 : memref<1x2x64xi32, #tpu.memory_space<hbm>> -> memref<2x64xi32, #tpu.memory_space<hbm>>
      tpu.enqueue_dma source(%dma_start3A_40 : memref<2x64xi32, #tpu.memory_space<hbm>>) target(%arg5 : memref<2x64xi32, #tpu.memory_space<vmem>>) target_semaphore(%run_scoped3A : memref<!tpu.dma_semaphore, #tpu.memory_space<semaphore_mem>>)
      %dma_wait3A_41 = arith.constant 0 : i32
      %dma_wait3A_42 = arith.constant 0 : i32
      %dma_wait3A_43 = tpu.memref_slice %arg3[%add3A, %dma_wait3A_41, %dma_wait3A_42] : memref<32x2x64xi32, #tpu.memory_space<hbm>> -> memref<1x2x64xi32, #tpu.memory_space<hbm>>
      %dma_wait3A_44 = tpu.memref_squeeze %dma_wait3A_43 : memref<1x2x64xi32, #tpu.memory_space<hbm>> -> memref<2x64xi32, #tpu.memory_space<hbm>>
      %dma_wait3A_45 = arith.constant 0 : i32
      %dma_wait3A_46 = arith.constant 0 : i32
      %dma_wait3A_47 = tpu.memref_slice %arg3[%add3A, %dma_wait3A_45, %dma_wait3A_46] : memref<32x2x64xi32, #tpu.memory_space<hbm>> -> memref<1x2x64xi32, #tpu.memory_space<hbm>>
      %dma_wait3A_48 = tpu.memref_squeeze %dma_wait3A_47 : memref<1x2x64xi32, #tpu.memory_space<hbm>> -> memref<2x64xi32, #tpu.memory_space<hbm>>
      tpu.wait_dma2 semaphore(%run_scoped3A : memref<!tpu.dma_semaphore, #tpu.memory_space<semaphore_mem>>) src(%dma_wait3A_48 : memref<2x64xi32, #tpu.memory_space<hbm>>) dst(%arg5 : memref<2x64xi32, #tpu.memory_space<vmem>>)
      tpu.yield
    }) : () -> ()
    %dma_start3A = arith.constant 0 : i32
    %dma_start3A_3 = arith.constant 0 : i32
    %dma_start3A_4 = tpu.memref_slice %arg5[%dma_start3A, %dma_start3A_3] : memref<2x64xi32, #tpu.memory_space<vmem>> -> memref<1x64xi32, #tpu.memory_space<vmem>>
    %dma_start3A_5 = tpu.memref_squeeze %dma_start3A_4 : memref<1x64xi32, #tpu.memory_space<vmem>> -> memref<64xi32, #tpu.memory_space<vmem>>
    %dma_start3A_6 = arith.constant 0 : i32
    %dma_start3A_7 = arith.constant 0 : i32
    %dma_start3A_8 = tpu.memref_slice %arg2[%dma_start3A_6, %dma_start3A_7] : memref<6144x1024xf32, #tpu.memory_space<hbm>> -> memref<6144x1024xf32, #tpu.memory_space<hbm>>
    tpu.enqueue_indirect_dma source(%dma_start3A_8 : memref<6144x1024xf32, #tpu.memory_space<hbm>>) target(%arg6 : memref<64x1024xf32, #tpu.memory_space<vmem>>) offsets(%dma_start3A_5 : memref<64xi32, #tpu.memory_space<vmem>>) semaphore(%arg7 : memref<!tpu.dma_semaphore, #tpu.memory_space<semaphore_mem>>)
    %dma_wait3A = arith.constant 0 : i32
    %dma_wait3A_9 = arith.constant 0 : i32
    %dma_wait3A_10 = tpu.memref_slice %arg5[%dma_wait3A, %dma_wait3A_9] : memref<2x64xi32, #tpu.memory_space<vmem>> -> memref<1x64xi32, #tpu.memory_space<vmem>>
    %dma_wait3A_11 = tpu.memref_squeeze %dma_wait3A_10 : memref<1x64xi32, #tpu.memory_space<vmem>> -> memref<64xi32, #tpu.memory_space<vmem>>
    %dma_wait3A_12 = arith.constant 0 : i32
    %dma_wait3A_13 = arith.constant 0 : i32
    %dma_wait3A_14 = tpu.memref_slice %arg2[%dma_wait3A_12, %dma_wait3A_13] : memref<6144x1024xf32, #tpu.memory_space<hbm>> -> memref<6144x1024xf32, #tpu.memory_space<hbm>>
    tpu.wait_indirect_dma semaphore(%arg7 : memref<!tpu.dma_semaphore, #tpu.memory_space<semaphore_mem>>) src(%dma_wait3A_14 : memref<6144x1024xf32, #tpu.memory_space<hbm>>) dst(%arg6 : memref<64x1024xf32, #tpu.memory_space<vmem>>)
    %add3A_15 = arith.constant 0 : i32
    %add3A_16 = arith.addi %mul3A_2, %add3A_15 : i32
    "tpu.region"() ({
      %run_scoped3A = tpu.sem_alloc : memref<!tpu.dma_semaphore, #tpu.memory_space<semaphore_mem>>
      %dma_start3A_33 = arith.constant 0 : i32
      %dma_start3A_34 = tpu.memref_slice %arg4[%add3A_16, %dma_start3A_33] : memref<4096x1024xf32, #tpu.memory_space<hbm>> -> memref<64x1024xf32, #tpu.memory_space<hbm>>
      %dma_start3A_35 = arith.constant 0 : i32
      %dma_start3A_36 = tpu.memref_slice %arg4[%add3A_16, %dma_start3A_35] : memref<4096x1024xf32, #tpu.memory_space<hbm>> -> memref<64x1024xf32, #tpu.memory_space<hbm>>
      tpu.enqueue_dma source(%arg6 : memref<64x1024xf32, #tpu.memory_space<vmem>>) target(%dma_start3A_36 : memref<64x1024xf32, #tpu.memory_space<hbm>>) target_semaphore(%run_scoped3A : memref<!tpu.dma_semaphore, #tpu.memory_space<semaphore_mem>>)
      %dma_wait3A_37 = arith.constant 0 : i32
      %dma_wait3A_38 = tpu.memref_slice %arg4[%add3A_16, %dma_wait3A_37] : memref<4096x1024xf32, #tpu.memory_space<hbm>> -> memref<64x1024xf32, #tpu.memory_space<hbm>>
      %dma_wait3A_39 = arith.constant 0 : i32
      %dma_wait3A_40 = tpu.memref_slice %arg4[%add3A_16, %dma_wait3A_39] : memref<4096x1024xf32, #tpu.memory_space<hbm>> -> memref<64x1024xf32, #tpu.memory_space<hbm>>
      tpu.wait_dma2 semaphore(%run_scoped3A : memref<!tpu.dma_semaphore, #tpu.memory_space<semaphore_mem>>) src(%arg6 : memref<64x1024xf32, #tpu.memory_space<vmem>>) dst(%dma_wait3A_40 : memref<64x1024xf32, #tpu.memory_space<hbm>>)
      tpu.yield
    }) : () -> ()
    %dma_start3A_17 = arith.constant 1 : i32
    %dma_start3A_18 = arith.constant 0 : i32
    %dma_start3A_19 = tpu.memref_slice %arg5[%dma_start3A_17, %dma_start3A_18] : memref<2x64xi32, #tpu.memory_space<vmem>> -> memref<1x64xi32, #tpu.memory_space<vmem>>
    %dma_start3A_20 = tpu.memref_squeeze %dma_start3A_19 : memref<1x64xi32, #tpu.memory_space<vmem>> -> memref<64xi32, #tpu.memory_space<vmem>>
    %dma_start3A_21 = arith.constant 0 : i32
    %dma_start3A_22 = arith.constant 0 : i32
    %dma_start3A_23 = tpu.memref_slice %arg2[%dma_start3A_21, %dma_start3A_22] : memref<6144x1024xf32, #tpu.memory_space<hbm>> -> memref<6144x1024xf32, #tpu.memory_space<hbm>>
    tpu.enqueue_indirect_dma source(%dma_start3A_23 : memref<6144x1024xf32, #tpu.memory_space<hbm>>) target(%arg6 : memref<64x1024xf32, #tpu.memory_space<vmem>>) offsets(%dma_start3A_20 : memref<64xi32, #tpu.memory_space<vmem>>) semaphore(%arg7 : memref<!tpu.dma_semaphore, #tpu.memory_space<semaphore_mem>>)
    %dma_wait3A_24 = arith.constant 1 : i32
    %dma_wait3A_25 = arith.constant 0 : i32
    %dma_wait3A_26 = tpu.memref_slice %arg5[%dma_wait3A_24, %dma_wait3A_25] : memref<2x64xi32, #tpu.memory_space<vmem>> -> memref<1x64xi32, #tpu.memory_space<vmem>>
    %dma_wait3A_27 = tpu.memref_squeeze %dma_wait3A_26 : memref<1x64xi32, #tpu.memory_space<vmem>> -> memref<64xi32, #tpu.memory_space<vmem>>
    %dma_wait3A_28 = arith.constant 0 : i32
    %dma_wait3A_29 = arith.constant 0 : i32
    %dma_wait3A_30 = tpu.memref_slice %arg2[%dma_wait3A_28, %dma_wait3A_29] : memref<6144x1024xf32, #tpu.memory_space<hbm>> -> memref<6144x1024xf32, #tpu.memory_space<hbm>>
    tpu.wait_indirect_dma semaphore(%arg7 : memref<!tpu.dma_semaphore, #tpu.memory_space<semaphore_mem>>) src(%dma_wait3A_30 : memref<6144x1024xf32, #tpu.memory_space<hbm>>) dst(%arg6 : memref<64x1024xf32, #tpu.memory_space<vmem>>)
    %add3A_31 = arith.constant 64 : i32
    %add3A_32 = arith.addi %mul3A_2, %add3A_31 : i32
    "tpu.region"() ({
      %run_scoped3A = tpu.sem_alloc : memref<!tpu.dma_semaphore, #tpu.memory_space<semaphore_mem>>
      %dma_start3A_33 = arith.constant 0 : i32
      %dma_start3A_34 = tpu.memref_slice %arg4[%add3A_32, %dma_start3A_33] : memref<4096x1024xf32, #tpu.memory_space<hbm>> -> memref<64x1024xf32, #tpu.memory_space<hbm>>
      %dma_start3A_35 = arith.constant 0 : i32
      %dma_start3A_36 = tpu.memref_slice %arg4[%add3A_32, %dma_start3A_35] : memref<4096x1024xf32, #tpu.memory_space<hbm>> -> memref<64x1024xf32, #tpu.memory_space<hbm>>
      tpu.enqueue_dma source(%arg6 : memref<64x1024xf32, #tpu.memory_space<vmem>>) target(%dma_start3A_36 : memref<64x1024xf32, #tpu.memory_space<hbm>>) target_semaphore(%run_scoped3A : memref<!tpu.dma_semaphore, #tpu.memory_space<semaphore_mem>>)
      %dma_wait3A_37 = arith.constant 0 : i32
      %dma_wait3A_38 = tpu.memref_slice %arg4[%add3A_32, %dma_wait3A_37] : memref<4096x1024xf32, #tpu.memory_space<hbm>> -> memref<64x1024xf32, #tpu.memory_space<hbm>>
      %dma_wait3A_39 = arith.constant 0 : i32
      %dma_wait3A_40 = tpu.memref_slice %arg4[%add3A_32, %dma_wait3A_39] : memref<4096x1024xf32, #tpu.memory_space<hbm>> -> memref<64x1024xf32, #tpu.memory_space<hbm>>
      tpu.wait_dma2 semaphore(%run_scoped3A : memref<!tpu.dma_semaphore, #tpu.memory_space<semaphore_mem>>) src(%arg6 : memref<64x1024xf32, #tpu.memory_space<vmem>>) dst(%dma_wait3A_40 : memref<64x1024xf32, #tpu.memory_space<hbm>>)
      tpu.yield
    }) : () -> ()
    return
  }
}

module attributes {stable_mosaic.version = 14 : i64} {
  func.func @_gmlp_body(%arg0: i32, %arg1: memref<128xi32, #tpu.memory_space<smem>>, %arg2: memref<256x1024xf32, #tpu.memory_space<vmem>>, %arg3: memref<1x1024x1024xf32, #tpu.memory_space<vmem>>, %arg4: memref<1x1024x1024xf32, #tpu.memory_space<vmem>>, %arg5: memref<1x1024x1024xf32, #tpu.memory_space<vmem>>, %arg6: memref<256x1024xf32, #tpu.memory_space<vmem>>) attributes {dimension_semantics = [#tpu.dimension_semantics<arbitrary>], iteration_bounds = array<i64: 24>, scalar_prefetch = 1 : i64, scratch_operands = 0 : i64, tpu.core_type = #tpu.core_type<tc>, window_params = [{transform_indices = @transform_0, window_bounds = array<i64: 256, 1024>}, {transform_indices = @transform_1, window_bounds = array<i64: 1, 1024, 1024>}, {transform_indices = @transform_2, window_bounds = array<i64: 1, 1024, 1024>}, {transform_indices = @transform_3, window_bounds = array<i64: 1, 1024, 1024>}, {transform_indices = @transform_4, window_bounds = array<i64: 256, 1024>}]} {
    %get3A = arith.constant 0 : index
    %get3A_0 = arith.constant 0 : index
    %get3A_1 = vector.load %arg2[%get3A, %get3A_0] : memref<256x1024xf32, #tpu.memory_space<vmem>>, vector<256x1024xf32>
    %convert_element_type3A = arith.truncf %get3A_1 : vector<256x1024xf32> to vector<256x1024xbf16>
    %get3A_2 = arith.constant 0 : index
    %get3A_3 = arith.constant 0 : index
    %get3A_4 = arith.constant 0 : index
    %get3A_5 = vector.load %arg3[%get3A_2, %get3A_3, %get3A_4] : memref<1x1024x1024xf32, #tpu.memory_space<vmem>>, vector<1x1024x1024xf32>
    %get3A_6 = vector.shape_cast %get3A_5 : vector<1x1024x1024xf32> to vector<1024x1024xf32>
    %convert_element_type3A_7 = arith.truncf %get3A_6 : vector<1024x1024xf32> to vector<1024x1024xbf16>
    %get3A_8 = arith.constant 0 : index
    %get3A_9 = arith.constant 0 : index
    %get3A_10 = arith.constant 0 : index
    %get3A_11 = vector.load %arg4[%get3A_8, %get3A_9, %get3A_10] : memref<1x1024x1024xf32, #tpu.memory_space<vmem>>, vector<1x1024x1024xf32>
    %get3A_12 = vector.shape_cast %get3A_11 : vector<1x1024x1024xf32> to vector<1024x1024xf32>
    %convert_element_type3A_13 = arith.truncf %get3A_12 : vector<1024x1024xf32> to vector<1024x1024xbf16>
    %get3A_14 = arith.constant 0 : index
    %get3A_15 = arith.constant 0 : index
    %get3A_16 = arith.constant 0 : index
    %get3A_17 = vector.load %arg5[%get3A_14, %get3A_15, %get3A_16] : memref<1x1024x1024xf32, #tpu.memory_space<vmem>>, vector<1x1024x1024xf32>
    %get3A_18 = vector.shape_cast %get3A_17 : vector<1x1024x1024xf32> to vector<1024x1024xf32>
    %convert_element_type3A_19 = arith.truncf %get3A_18 : vector<1024x1024xf32> to vector<1024x1024xbf16>
    %dot_general3A = arith.constant dense<0.000000e+00> : vector<256x1024xf32>
    %dot_general3A_20 = tpu.matmul %convert_element_type3A, %convert_element_type3A_7, %dot_general3A {dimension_numbers = #tpu.dot_dimension_numbers<[1], [1], [0], [0], [0, 0, 1, 0], [], []>, transpose_lhs_hint = false} : vector<256x1024xbf16>, vector<1024x1024xbf16>, vector<256x1024xf32> -> vector<256x1024xf32>
    %dot_general3A_21 = arith.constant dense<0.000000e+00> : vector<256x1024xf32>
    %dot_general3A_22 = tpu.matmul %convert_element_type3A, %convert_element_type3A_13, %dot_general3A_21 {dimension_numbers = #tpu.dot_dimension_numbers<[1], [1], [0], [0], [0, 0, 1, 0], [], []>, transpose_lhs_hint = false} : vector<256x1024xbf16>, vector<1024x1024xbf16>, vector<256x1024xf32> -> vector<256x1024xf32>
    %neg3A = arith.constant 0.000000e+00 : f32
    %neg3A_23 = vector.broadcast %neg3A : f32 to vector<256x1024xf32>
    %neg3A_24 = arith.subf %neg3A_23, %dot_general3A_20 : vector<256x1024xf32>
    %exp3A = math.exp %neg3A_24 : vector<256x1024xf32>
    %add3A = arith.constant 1.000000e+00 : f32
    %add3A_25 = vector.broadcast %add3A : f32 to vector<256x1024xf32>
    %add3A_26 = arith.addf %add3A_25, %exp3A : vector<256x1024xf32>
    %div3A = arith.divf %dot_general3A_20, %add3A_26 : vector<256x1024xf32>
    %mul3A = arith.mulf %div3A, %dot_general3A_22 : vector<256x1024xf32>
    %convert_element_type3A_27 = arith.truncf %mul3A : vector<256x1024xf32> to vector<256x1024xbf16>
    %dot_general3A_28 = arith.constant dense<0.000000e+00> : vector<256x1024xf32>
    %dot_general3A_29 = tpu.matmul %convert_element_type3A_27, %convert_element_type3A_19, %dot_general3A_28 {dimension_numbers = #tpu.dot_dimension_numbers<[1], [1], [0], [0], [0, 0, 1, 0], [], []>, transpose_lhs_hint = false} : vector<256x1024xbf16>, vector<1024x1024xbf16>, vector<256x1024xf32> -> vector<256x1024xf32>
    %swap3A = arith.constant 0 : index
    %swap3A_30 = arith.constant 0 : index
    %swap3A_31 = vector.load %arg6[%swap3A, %swap3A_30] : memref<256x1024xf32, #tpu.memory_space<vmem>>, vector<256x1024xf32>
    tpu.vector_store %arg6[%swap3A, %swap3A_30], %dot_general3A_29 {strides = array<i32>} : memref<256x1024xf32, #tpu.memory_space<vmem>>, vector<256x1024xf32>,
    return
  }
  func.func @transform_0(%arg0: i32, %arg1: memref<128xi32, #tpu.memory_space<smem>>) -> (i32, i32) {
    %c0_i32 = arith.constant 0 : i32
    %c0_i32_0 = arith.constant 0 : i32
    return %arg0, %c0_i32 : i32, i32
  }
  func.func @transform_1(%arg0: i32, %arg1: memref<128xi32, #tpu.memory_space<smem>>) -> (i32, i32, i32) {
    %get3A = arith.index_cast %arg0 : i32 to index
    %get3A_0 = memref.load %arg1[%get3A] : memref<128xi32, #tpu.memory_space<smem>>
    %c0_i32 = arith.constant 0 : i32
    %c0_i32_1 = arith.constant 0 : i32
    %c0_i32_2 = arith.constant 0 : i32
    return %get3A_0, %c0_i32, %c0_i32_1 : i32, i32, i32
  }
  func.func @transform_2(%arg0: i32, %arg1: memref<128xi32, #tpu.memory_space<smem>>) -> (i32, i32, i32) {
    %get3A = arith.index_cast %arg0 : i32 to index
    %get3A_0 = memref.load %arg1[%get3A] : memref<128xi32, #tpu.memory_space<smem>>
    %c0_i32 = arith.constant 0 : i32
    %c0_i32_1 = arith.constant 0 : i32
    %c0_i32_2 = arith.constant 0 : i32
    return %get3A_0, %c0_i32, %c0_i32_1 : i32, i32, i32
  }
  func.func @transform_3(%arg0: i32, %arg1: memref<128xi32, #tpu.memory_space<smem>>) -> (i32, i32, i32) {
    %get3A = arith.index_cast %arg0 : i32 to index
    %get3A_0 = memref.load %arg1[%get3A] : memref<128xi32, #tpu.memory_space<smem>>
    %c0_i32 = arith.constant 0 : i32
    %c0_i32_1 = arith.constant 0 : i32
    %c0_i32_2 = arith.constant 0 : i32
    return %get3A_0, %c0_i32, %c0_i32_1 : i32, i32, i32
  }
  func.func @transform_4(%arg0: i32, %arg1: memref<128xi32, #tpu.memory_space<smem>>) -> (i32, i32) {
    %c0_i32 = arith.constant 0 : i32
    %c0_i32_0 = arith.constant 0 : i32
    return %arg0, %c0_i32 : i32, i32
  }
}

module attributes {stable_mosaic.version = 14 : i64} {
  func.func @_router_body(%arg0: memref<2048x1024xf32, #tpu.memory_space<vmem>>, %arg1: memref<8x1024xf32, #tpu.memory_space<vmem>>, %arg2: memref<2048xf32, #tpu.memory_space<vmem>>, %arg3: memref<2048xf32, #tpu.memory_space<vmem>>, %arg4: memref<4096xi32, #tpu.memory_space<vmem>>, %arg5: memref<128xi32, #tpu.memory_space<vmem>>) attributes {dimension_semantics = [], scalar_prefetch = 0 : i64, scratch_operands = 0 : i64, tpu.core_type = #tpu.core_type<tc>} {
    %get3A = arith.constant 0 : index
    %get3A_0 = arith.constant 0 : index
    %get3A_1 = vector.load %arg0[%get3A, %get3A_0] : memref<2048x1024xf32, #tpu.memory_space<vmem>>, vector<2048x1024xf32>
    %get3A_2 = arith.constant 0 : index
    %get3A_3 = arith.constant 0 : index
    %get3A_4 = vector.load %arg1[%get3A_2, %get3A_3] : memref<8x1024xf32, #tpu.memory_space<vmem>>, vector<8x1024xf32>
    %dot_general3A = arith.constant dense<0.000000e+00> : vector<2048x8xf32>
    %dot_general3A_5 = tpu.matmul %get3A_1, %get3A_4, %dot_general3A {dimension_numbers = #tpu.dot_dimension_numbers<[1], [1], [0], [0], [0, 0, 1, 0], [], []>, transpose_lhs_hint = false} : vector<2048x1024xf32>, vector<8x1024xf32>, vector<2048x8xf32> -> vector<2048x8xf32>
    %iota3A = tpu.iota {dimensions = array<i32: 1>} : vector<2048x8xi32>
    %reduce_max3A = arith.constant dense<0xFF800000> : vector<2048xf32>
    %reduce_max3A_6 = vector.multi_reduction <maximumf>, %dot_general3A_5, %reduce_max3A [1] : vector<2048x8xf32> to vector<2048xf32>
    %broadcast_in_dim3A = vector.shape_cast %reduce_max3A_6 : vector<2048xf32> to vector<2048x1xf32>
    %eq3A = vector.broadcast %broadcast_in_dim3A : vector<2048x1xf32> to vector<2048x8xf32>
    %eq3A_7 = arith.cmpf oeq, %dot_general3A_5, %eq3A : vector<2048x8xf32>
    %jit3A = arith.constant 8 : i32
    %broadcast_in_dim3A_8 = vector.broadcast %jit3A : i32 to vector<2048x8xi32>
    %select_n3A = arith.select %eq3A_7, %iota3A, %broadcast_in_dim3A_8 : vector<2048x8xi1>, vector<2048x8xi32>
    %reduce_min3A = arith.constant dense<2147483647> : vector<2048xi32>
    %reduce_min3A_9 = vector.multi_reduction <minsi>, %select_n3A, %reduce_min3A [1] : vector<2048x8xi32> to vector<2048xi32>
    %broadcast_in_dim3A_10 = vector.shape_cast %reduce_min3A_9 : vector<2048xi32> to vector<2048x1xi32>
    %eq3A_11 = vector.broadcast %broadcast_in_dim3A_10 : vector<2048x1xi32> to vector<2048x8xi32>
    %eq3A_12 = arith.cmpi eq, %iota3A, %eq3A_11 : vector<2048x8xi32>
    %jit3A_13 = arith.constant -3.000000e+38 : f32
    %broadcast_in_dim3A_14 = vector.broadcast %jit3A_13 : f32 to vector<2048x8xf32>
    %select_n3A_15 = arith.select %eq3A_12, %broadcast_in_dim3A_14, %dot_general3A_5 : vector<2048x8xi1>, vector<2048x8xf32>
    %reduce_max3A_16 = arith.constant dense<0xFF800000> : vector<2048xf32>
    %reduce_max3A_17 = vector.multi_reduction <maximumf>, %select_n3A_15, %reduce_max3A_16 [1] : vector<2048x8xf32> to vector<2048xf32>
    %broadcast_in_dim3A_18 = vector.shape_cast %reduce_max3A_17 : vector<2048xf32> to vector<2048x1xf32>
    %eq3A_19 = vector.broadcast %broadcast_in_dim3A_18 : vector<2048x1xf32> to vector<2048x8xf32>
    %eq3A_20 = arith.cmpf oeq, %select_n3A_15, %eq3A_19 : vector<2048x8xf32>
    %jit3A_21 = arith.constant 8 : i32
    %broadcast_in_dim3A_22 = vector.broadcast %jit3A_21 : i32 to vector<2048x8xi32>
    %select_n3A_23 = arith.select %eq3A_20, %iota3A, %broadcast_in_dim3A_22 : vector<2048x8xi1>, vector<2048x8xi32>
    %reduce_min3A_24 = arith.constant dense<2147483647> : vector<2048xi32>
    %reduce_min3A_25 = vector.multi_reduction <minsi>, %select_n3A_23, %reduce_min3A_24 [1] : vector<2048x8xi32> to vector<2048xi32>
    %swap3A = arith.constant 0 : index
    %swap3A_26 = vector.load %arg2[%swap3A] : memref<2048xf32, #tpu.memory_space<vmem>>, vector<2048xf32>
    tpu.vector_store %arg2[%swap3A], %reduce_max3A_6 {strides = array<i32>} : memref<2048xf32, #tpu.memory_space<vmem>>, vector<2048xf32>,
    %swap3A_27 = arith.constant 0 : index
    %swap3A_28 = vector.load %arg3[%swap3A_27] : memref<2048xf32, #tpu.memory_space<vmem>>, vector<2048xf32>
    tpu.vector_store %arg3[%swap3A_27], %reduce_max3A_17 {strides = array<i32>} : memref<2048xf32, #tpu.memory_space<vmem>>, vector<2048xf32>,
    %iota3A_29 = tpu.iota {dimensions = array<i32: 0>} : vector<8x2048xi32>
    %broadcast_in_dim3A_30 = vector.shape_cast %reduce_min3A_9 : vector<2048xi32> to vector<1x2048xi32>
    %eq3A_31 = vector.broadcast %broadcast_in_dim3A_30 : vector<1x2048xi32> to vector<8x2048xi32>
    %eq3A_32 = arith.cmpi eq, %eq3A_31, %iota3A_29 : vector<8x2048xi32>
    %convert_element_type3A = arith.extui %eq3A_32 : vector<8x2048xi1> to vector<8x2048xi32>
    %broadcast_in_dim3A_33 = vector.shape_cast %reduce_min3A_25 : vector<2048xi32> to vector<1x2048xi32>
    %eq3A_34 = vector.broadcast %broadcast_in_dim3A_33 : vector<1x2048xi32> to vector<8x2048xi32>
    %eq3A_35 = arith.cmpi eq, %eq3A_34, %iota3A_29 : vector<8x2048xi32>
    %convert_element_type3A_36 = arith.extui %eq3A_35 : vector<8x2048xi1> to vector<8x2048xi32>
    %concatenate3A = tpu.concatenate %convert_element_type3A, %convert_element_type3A_36 in 1 : vector<8x2048xi32>, vector<8x2048xi32> -> vector<8x4096xi32>
    %jit3A_37 = arith.constant 0 : i32
    %pad3A = vector.broadcast %jit3A_37 : i32 to vector<8x1xi32>
    %pad3A_38 = tpu.concatenate %pad3A, %concatenate3A in 1 : vector<8x1xi32>, vector<8x4096xi32> -> vector<8x4097xi32>
    %slice3A = vector.extract_strided_slice %pad3A_38 {offsets = [0, 0], sizes = [8, 4096], strides = [1, 1]} : vector<8x4097xi32> to vector<8x4096xi32>
    %add3A = arith.addi %concatenate3A, %slice3A : vector<8x4096xi32>
    %jit3A_39 = arith.constant 0 : i32
    %pad3A_40 = vector.broadcast %jit3A_39 : i32 to vector<8x2xi32>
    %pad3A_41 = tpu.concatenate %pad3A_40, %add3A in 1 : vector<8x2xi32>, vector<8x4096xi32> -> vector<8x4098xi32>
    %slice3A_42 = vector.extract_strided_slice %pad3A_41 {offsets = [0, 0], sizes = [8, 4096], strides = [1, 1]} : vector<8x4098xi32> to vector<8x4096xi32>
    %add3A_43 = arith.addi %add3A, %slice3A_42 : vector<8x4096xi32>
    %jit3A_44 = arith.constant 0 : i32
    %pad3A_45 = vector.broadcast %jit3A_44 : i32 to vector<8x4xi32>
    %pad3A_46 = tpu.concatenate %pad3A_45, %add3A_43 in 1 : vector<8x4xi32>, vector<8x4096xi32> -> vector<8x4100xi32>
    %slice3A_47 = vector.extract_strided_slice %pad3A_46 {offsets = [0, 0], sizes = [8, 4096], strides = [1, 1]} : vector<8x4100xi32> to vector<8x4096xi32>
    %add3A_48 = arith.addi %add3A_43, %slice3A_47 : vector<8x4096xi32>
    %jit3A_49 = arith.constant 0 : i32
    %pad3A_50 = vector.broadcast %jit3A_49 : i32 to vector<8x8xi32>
    %pad3A_51 = tpu.concatenate %pad3A_50, %add3A_48 in 1 : vector<8x8xi32>, vector<8x4096xi32> -> vector<8x4104xi32>
    %slice3A_52 = vector.extract_strided_slice %pad3A_51 {offsets = [0, 0], sizes = [8, 4096], strides = [1, 1]} : vector<8x4104xi32> to vector<8x4096xi32>
    %add3A_53 = arith.addi %add3A_48, %slice3A_52 : vector<8x4096xi32>
    %jit3A_54 = arith.constant 0 : i32
    %pad3A_55 = vector.broadcast %jit3A_54 : i32 to vector<8x16xi32>
    %pad3A_56 = tpu.concatenate %pad3A_55, %add3A_53 in 1 : vector<8x16xi32>, vector<8x4096xi32> -> vector<8x4112xi32>
    %slice3A_57 = vector.extract_strided_slice %pad3A_56 {offsets = [0, 0], sizes = [8, 4096], strides = [1, 1]} : vector<8x4112xi32> to vector<8x4096xi32>
    %add3A_58 = arith.addi %add3A_53, %slice3A_57 : vector<8x4096xi32>
    %jit3A_59 = arith.constant 0 : i32
    %pad3A_60 = vector.broadcast %jit3A_59 : i32 to vector<8x32xi32>
    %pad3A_61 = tpu.concatenate %pad3A_60, %add3A_58 in 1 : vector<8x32xi32>, vector<8x4096xi32> -> vector<8x4128xi32>
    %slice3A_62 = vector.extract_strided_slice %pad3A_61 {offsets = [0, 0], sizes = [8, 4096], strides = [1, 1]} : vector<8x4128xi32> to vector<8x4096xi32>
    %add3A_63 = arith.addi %add3A_58, %slice3A_62 : vector<8x4096xi32>
    %jit3A_64 = arith.constant 0 : i32
    %pad3A_65 = vector.broadcast %jit3A_64 : i32 to vector<8x64xi32>
    %pad3A_66 = tpu.concatenate %pad3A_65, %add3A_63 in 1 : vector<8x64xi32>, vector<8x4096xi32> -> vector<8x4160xi32>
    %slice3A_67 = vector.extract_strided_slice %pad3A_66 {offsets = [0, 0], sizes = [8, 4096], strides = [1, 1]} : vector<8x4160xi32> to vector<8x4096xi32>
    %add3A_68 = arith.addi %add3A_63, %slice3A_67 : vector<8x4096xi32>
    %jit3A_69 = arith.constant 0 : i32
    %pad3A_70 = vector.broadcast %jit3A_69 : i32 to vector<8x128xi32>
    %pad3A_71 = tpu.concatenate %pad3A_70, %add3A_68 in 1 : vector<8x128xi32>, vector<8x4096xi32> -> vector<8x4224xi32>
    %slice3A_72 = vector.extract_strided_slice %pad3A_71 {offsets = [0, 0], sizes = [8, 4096], strides = [1, 1]} : vector<8x4224xi32> to vector<8x4096xi32>
    %add3A_73 = arith.addi %add3A_68, %slice3A_72 : vector<8x4096xi32>
    %jit3A_74 = arith.constant 0 : i32
    %pad3A_75 = vector.broadcast %jit3A_74 : i32 to vector<8x256xi32>
    %pad3A_76 = tpu.concatenate %pad3A_75, %add3A_73 in 1 : vector<8x256xi32>, vector<8x4096xi32> -> vector<8x4352xi32>
    %slice3A_77 = vector.extract_strided_slice %pad3A_76 {offsets = [0, 0], sizes = [8, 4096], strides = [1, 1]} : vector<8x4352xi32> to vector<8x4096xi32>
    %add3A_78 = arith.addi %add3A_73, %slice3A_77 : vector<8x4096xi32>
    %jit3A_79 = arith.constant 0 : i32
    %pad3A_80 = vector.broadcast %jit3A_79 : i32 to vector<8x512xi32>
    %pad3A_81 = tpu.concatenate %pad3A_80, %add3A_78 in 1 : vector<8x512xi32>, vector<8x4096xi32> -> vector<8x4608xi32>
    %slice3A_82 = vector.extract_strided_slice %pad3A_81 {offsets = [0, 0], sizes = [8, 4096], strides = [1, 1]} : vector<8x4608xi32> to vector<8x4096xi32>
    %add3A_83 = arith.addi %add3A_78, %slice3A_82 : vector<8x4096xi32>
    %jit3A_84 = arith.constant 0 : i32
    %pad3A_85 = vector.broadcast %jit3A_84 : i32 to vector<8x1024xi32>
    %pad3A_86 = tpu.concatenate %pad3A_85, %add3A_83 in 1 : vector<8x1024xi32>, vector<8x4096xi32> -> vector<8x5120xi32>
    %slice3A_87 = vector.extract_strided_slice %pad3A_86 {offsets = [0, 0], sizes = [8, 4096], strides = [1, 1]} : vector<8x5120xi32> to vector<8x4096xi32>
    %add3A_88 = arith.addi %add3A_83, %slice3A_87 : vector<8x4096xi32>
    %jit3A_89 = arith.constant 0 : i32
    %pad3A_90 = vector.broadcast %jit3A_89 : i32 to vector<8x2048xi32>
    %pad3A_91 = tpu.concatenate %pad3A_90, %add3A_88 in 1 : vector<8x2048xi32>, vector<8x4096xi32> -> vector<8x6144xi32>
    %slice3A_92 = vector.extract_strided_slice %pad3A_91 {offsets = [0, 0], sizes = [8, 4096], strides = [1, 1]} : vector<8x6144xi32> to vector<8x4096xi32>
    %add3A_93 = arith.addi %add3A_88, %slice3A_92 : vector<8x4096xi32>
    %sub3A = arith.subi %add3A_93, %concatenate3A : vector<8x4096xi32>
    %slice3A_94 = vector.extract_strided_slice %add3A_93 {offsets = [0, 4095], sizes = [8, 1], strides = [1, 1]} : vector<8x4096xi32> to vector<8x1xi32>
    %add3A_95 = arith.constant 255 : i32
    %add3A_96 = vector.broadcast %add3A_95 : i32 to vector<8x1xi32>
    %add3A_97 = arith.addi %slice3A_94, %add3A_96 : vector<8x1xi32>
    %jit3A_98 = arith.constant 256 : i32
    %div3A = vector.broadcast %jit3A_98 : i32 to vector<8x1xi32>
    %div3A_99 = arith.divsi %add3A_97, %div3A : vector<8x1xi32>
    %sign3A = arith.constant 0 : i32
    %sign3A_100 = vector.broadcast %sign3A : i32 to vector<8x1xi32>
    %sign3A_101 = arith.cmpi sgt, %add3A_97, %sign3A_100 : vector<8x1xi32>
    %sign3A_102 = arith.extui %sign3A_101 : vector<8x1xi1> to vector<8x1xi32>
    %sign3A_103 = arith.constant 0 : i32
    %sign3A_104 = vector.broadcast %sign3A_103 : i32 to vector<8x1xi32>
    %sign3A_105 = arith.cmpi slt, %add3A_97, %sign3A_104 : vector<8x1xi32>
    %sign3A_106 = arith.extui %sign3A_105 : vector<8x1xi1> to vector<8x1xi32>
    %sign3A_107 = arith.subi %sign3A_102, %sign3A_106 : vector<8x1xi32>
    %sign3A_108 = arith.constant 0 : i32
    %sign3A_109 = arith.cmpi sgt, %jit3A_98, %sign3A_108 : i32
    %sign3A_110 = arith.extui %sign3A_109 : i1 to i32
    %sign3A_111 = arith.constant 0 : i32
    %sign3A_112 = arith.cmpi slt, %jit3A_98, %sign3A_111 : i32
    %sign3A_113 = arith.extui %sign3A_112 : i1 to i32
    %sign3A_114 = arith.subi %sign3A_110, %sign3A_113 : i32
    %ne3A = vector.broadcast %sign3A_114 : i32 to vector<8x1xi32>
    %ne3A_115 = arith.cmpi ne, %sign3A_107, %ne3A : vector<8x1xi32>
    %rem3A = vector.broadcast %jit3A_98 : i32 to vector<8x1xi32>
    %rem3A_116 = arith.remsi %add3A_97, %rem3A : vector<8x1xi32>
    %ne3A_117 = arith.constant 0 : i32
    %ne3A_118 = vector.broadcast %ne3A_117 : i32 to vector<8x1xi32>
    %ne3A_119 = arith.cmpi ne, %rem3A_116, %ne3A_118 : vector<8x1xi32>
    %and3A = arith.andi %ne3A_115, %ne3A_119 : vector<8x1xi1>
    %sub3A_120 = arith.constant 1 : i32
    %sub3A_121 = vector.broadcast %sub3A_120 : i32 to vector<8x1xi32>
    %sub3A_122 = arith.subi %div3A_99, %sub3A_121 : vector<8x1xi32>
    %select_n3A_123 = arith.select %and3A, %sub3A_122, %div3A_99 : vector<8x1xi1>, vector<8x1xi32>
    %mul3A = arith.constant 256 : i32
    %mul3A_124 = vector.broadcast %mul3A : i32 to vector<8x1xi32>
    %mul3A_125 = arith.muli %select_n3A_123, %mul3A_124 : vector<8x1xi32>
    %jit3A_126 = arith.constant 0 : i32
    %pad3A_127 = vector.broadcast %jit3A_126 : i32 to vector<1x1xi32>
    %pad3A_128 = tpu.concatenate %pad3A_127, %mul3A_125 in 0 : vector<1x1xi32>, vector<8x1xi32> -> vector<9x1xi32>
    %slice3A_129 = vector.extract_strided_slice %pad3A_128 {offsets = [0, 0], sizes = [8, 1], strides = [1, 1]} : vector<9x1xi32> to vector<8x1xi32>
    %jit3A_130 = arith.constant 0 : i32
    %pad3A_131 = vector.broadcast %jit3A_130 : i32 to vector<1x1xi32>
    %pad3A_132 = tpu.concatenate %pad3A_131, %slice3A_129 in 0 : vector<1x1xi32>, vector<8x1xi32> -> vector<9x1xi32>
    %slice3A_133 = vector.extract_strided_slice %pad3A_132 {offsets = [0, 0], sizes = [8, 1], strides = [1, 1]} : vector<9x1xi32> to vector<8x1xi32>
    %add3A_134 = arith.addi %slice3A_129, %slice3A_133 : vector<8x1xi32>
    %jit3A_135 = arith.constant 0 : i32
    %pad3A_136 = vector.broadcast %jit3A_135 : i32 to vector<2x1xi32>
    %pad3A_137 = tpu.concatenate %pad3A_136, %add3A_134 in 0 : vector<2x1xi32>, vector<8x1xi32> -> vector<10x1xi32>
    %slice3A_138 = vector.extract_strided_slice %pad3A_137 {offsets = [0, 0], sizes = [8, 1], strides = [1, 1]} : vector<10x1xi32> to vector<8x1xi32>
    %add3A_139 = arith.addi %add3A_134, %slice3A_138 : vector<8x1xi32>
    %jit3A_140 = arith.constant 0 : i32
    %pad3A_141 = vector.broadcast %jit3A_140 : i32 to vector<4x1xi32>
    %pad3A_142 = tpu.concatenate %pad3A_141, %add3A_139 in 0 : vector<4x1xi32>, vector<8x1xi32> -> vector<12x1xi32>
    %slice3A_143 = vector.extract_strided_slice %pad3A_142 {offsets = [0, 0], sizes = [8, 1], strides = [1, 1]} : vector<12x1xi32> to vector<8x1xi32>
    %add3A_144 = arith.addi %add3A_139, %slice3A_143 : vector<8x1xi32>
    %add3A_145 = vector.broadcast %add3A_144 : vector<8x1xi32> to vector<8x4096xi32>
    %add3A_146 = arith.addi %sub3A, %add3A_145 : vector<8x4096xi32>
    %mul3A_147 = arith.muli %concatenate3A, %add3A_146 : vector<8x4096xi32>
    %reduce_sum3A = arith.constant dense<0> : vector<4096xi32>
    %reduce_sum3A_148 = vector.multi_reduction <add>, %mul3A_147, %reduce_sum3A [0] : vector<8x4096xi32> to vector<4096xi32>
    %swap3A_149 = arith.constant 0 : index
    %swap3A_150 = vector.load %arg4[%swap3A_149] : memref<4096xi32, #tpu.memory_space<vmem>>, vector<4096xi32>
    tpu.vector_store %arg4[%swap3A_149], %reduce_sum3A_148 {strides = array<i32>} : memref<4096xi32, #tpu.memory_space<vmem>>, vector<4096xi32>,
    %add3A_151 = arith.addi %add3A_144, %mul3A_125 : vector<8x1xi32>
    %jit3A_152 = arith.constant 256 : i32
    %div3A_153 = vector.broadcast %jit3A_152 : i32 to vector<8x1xi32>
    %div3A_154 = arith.divsi %add3A_151, %div3A_153 : vector<8x1xi32>
    %sign3A_155 = arith.constant 0 : i32
    %sign3A_156 = vector.broadcast %sign3A_155 : i32 to vector<8x1xi32>
    %sign3A_157 = arith.cmpi sgt, %add3A_151, %sign3A_156 : vector<8x1xi32>
    %sign3A_158 = arith.extui %sign3A_157 : vector<8x1xi1> to vector<8x1xi32>
    %sign3A_159 = arith.constant 0 : i32
    %sign3A_160 = vector.broadcast %sign3A_159 : i32 to vector<8x1xi32>
    %sign3A_161 = arith.cmpi slt, %add3A_151, %sign3A_160 : vector<8x1xi32>
    %sign3A_162 = arith.extui %sign3A_161 : vector<8x1xi1> to vector<8x1xi32>
    %sign3A_163 = arith.subi %sign3A_158, %sign3A_162 : vector<8x1xi32>
    %sign3A_164 = arith.constant 0 : i32
    %sign3A_165 = arith.cmpi sgt, %jit3A_152, %sign3A_164 : i32
    %sign3A_166 = arith.extui %sign3A_165 : i1 to i32
    %sign3A_167 = arith.constant 0 : i32
    %sign3A_168 = arith.cmpi slt, %jit3A_152, %sign3A_167 : i32
    %sign3A_169 = arith.extui %sign3A_168 : i1 to i32
    %sign3A_170 = arith.subi %sign3A_166, %sign3A_169 : i32
    %ne3A_171 = vector.broadcast %sign3A_170 : i32 to vector<8x1xi32>
    %ne3A_172 = arith.cmpi ne, %sign3A_163, %ne3A_171 : vector<8x1xi32>
    %rem3A_173 = vector.broadcast %jit3A_152 : i32 to vector<8x1xi32>
    %rem3A_174 = arith.remsi %add3A_151, %rem3A_173 : vector<8x1xi32>
    %ne3A_175 = arith.constant 0 : i32
    %ne3A_176 = vector.broadcast %ne3A_175 : i32 to vector<8x1xi32>
    %ne3A_177 = arith.cmpi ne, %rem3A_174, %ne3A_176 : vector<8x1xi32>
    %and3A_178 = arith.andi %ne3A_172, %ne3A_177 : vector<8x1xi1>
    %sub3A_179 = arith.constant 1 : i32
    %sub3A_180 = vector.broadcast %sub3A_179 : i32 to vector<8x1xi32>
    %sub3A_181 = arith.subi %div3A_154, %sub3A_180 : vector<8x1xi32>
    %select_n3A_182 = arith.select %and3A_178, %sub3A_181, %div3A_154 : vector<8x1xi1>, vector<8x1xi32>
    %iota3A_183 = tpu.iota {dimensions = array<i32: 1>} : vector<8x128xi32>
    %ge3A = vector.broadcast %select_n3A_182 : vector<8x1xi32> to vector<8x128xi32>
    %ge3A_184 = arith.cmpi sge, %iota3A_183, %ge3A : vector<8x128xi32>
    %convert_element_type3A_185 = arith.extui %ge3A_184 : vector<8x128xi1> to vector<8x128xi32>
    %reduce_sum3A_186 = arith.constant dense<0> : vector<128xi32>
    %reduce_sum3A_187 = vector.multi_reduction <add>, %convert_element_type3A_185, %reduce_sum3A_186 [0] : vector<8x128xi32> to vector<128xi32>
    %min3A = arith.constant 7 : i32
    %min3A_188 = vector.broadcast %min3A : i32 to vector<128xi32>
    %min3A_189 = arith.minsi %reduce_sum3A_187, %min3A_188 : vector<128xi32>
    %swap3A_190 = arith.constant 0 : index
    %swap3A_191 = vector.load %arg5[%swap3A_190] : memref<128xi32, #tpu.memory_space<vmem>>, vector<128xi32>
    tpu.vector_store %arg5[%swap3A_190], %min3A_189 {strides = array<i32>} : memref<128xi32, #tpu.memory_space<vmem>>, vector<128xi32>,
    return
  }
}

module attributes {stable_mosaic.version = 14 : i64} {
  func.func @_combine_body(%arg0: i32, %arg1: memref<256x1024xf32, #tpu.memory_space<vmem>>, %arg2: memref<256x1024xf32, #tpu.memory_space<vmem>>, %arg3: memref<256x1024xf32, #tpu.memory_space<vmem>>, %arg4: memref<256x1xf32, #tpu.memory_space<vmem>>, %arg5: memref<256x1xf32, #tpu.memory_space<vmem>>, %arg6: memref<256x1024xf32, #tpu.memory_space<vmem>>) attributes {dimension_semantics = [#tpu.dimension_semantics<arbitrary>], iteration_bounds = array<i64: 8>, scalar_prefetch = 0 : i64, scratch_operands = 0 : i64, tpu.core_type = #tpu.core_type<tc>, window_params = [{transform_indices = @transform_0, window_bounds = array<i64: 256, 1024>}, {transform_indices = @transform_1, window_bounds = array<i64: 256, 1024>}, {transform_indices = @transform_2, window_bounds = array<i64: 256, 1024>}, {transform_indices = @transform_3, window_bounds = array<i64: 256, 1>}, {transform_indices = @transform_4, window_bounds = array<i64: 256, 1>}, {transform_indices = @transform_5, window_bounds = array<i64: 256, 1024>}]} {
    %get3A = arith.constant 0 : index
    %get3A_0 = arith.constant 0 : index
    %get3A_1 = vector.load %arg1[%get3A, %get3A_0] : memref<256x1024xf32, #tpu.memory_space<vmem>>, vector<256x1024xf32>
    %get3A_2 = arith.constant 0 : index
    %get3A_3 = arith.constant 0 : index
    %get3A_4 = vector.load %arg4[%get3A_2, %get3A_3] : memref<256x1xf32, #tpu.memory_space<vmem>>, vector<256x1xf32>
    %get3A_5 = arith.constant 0 : index
    %get3A_6 = arith.constant 0 : index
    %get3A_7 = vector.load %arg2[%get3A_5, %get3A_6] : memref<256x1024xf32, #tpu.memory_space<vmem>>, vector<256x1024xf32>
    %mul3A = vector.broadcast %get3A_4 : vector<256x1xf32> to vector<256x1024xf32>
    %mul3A_8 = arith.mulf %mul3A, %get3A_7 : vector<256x1024xf32>
    %add3A = arith.addf %get3A_1, %mul3A_8 : vector<256x1024xf32>
    %get3A_9 = arith.constant 0 : index
    %get3A_10 = arith.constant 0 : index
    %get3A_11 = vector.load %arg5[%get3A_9, %get3A_10] : memref<256x1xf32, #tpu.memory_space<vmem>>, vector<256x1xf32>
    %get3A_12 = arith.constant 0 : index
    %get3A_13 = arith.constant 0 : index
    %get3A_14 = vector.load %arg3[%get3A_12, %get3A_13] : memref<256x1024xf32, #tpu.memory_space<vmem>>, vector<256x1024xf32>
    %mul3A_15 = vector.broadcast %get3A_11 : vector<256x1xf32> to vector<256x1024xf32>
    %mul3A_16 = arith.mulf %mul3A_15, %get3A_14 : vector<256x1024xf32>
    %add3A_17 = arith.addf %add3A, %mul3A_16 : vector<256x1024xf32>
    %swap3A = arith.constant 0 : index
    %swap3A_18 = arith.constant 0 : index
    %swap3A_19 = vector.load %arg6[%swap3A, %swap3A_18] : memref<256x1024xf32, #tpu.memory_space<vmem>>, vector<256x1024xf32>
    tpu.vector_store %arg6[%swap3A, %swap3A_18], %add3A_17 {strides = array<i32>} : memref<256x1024xf32, #tpu.memory_space<vmem>>, vector<256x1024xf32>,
    return
  }
  func.func @transform_0(%arg0: i32) -> (i32, i32) {
    %c0_i32 = arith.constant 0 : i32
    %c0_i32_0 = arith.constant 0 : i32
    return %arg0, %c0_i32 : i32, i32
  }
  func.func @transform_1(%arg0: i32) -> (i32, i32) {
    %c0_i32 = arith.constant 0 : i32
    %c0_i32_0 = arith.constant 0 : i32
    return %arg0, %c0_i32 : i32, i32
  }
  func.func @transform_2(%arg0: i32) -> (i32, i32) {
    %add3A = arith.constant 8 : i32
    %add3A_0 = arith.addi %arg0, %add3A : i32
    %c0_i32 = arith.constant 0 : i32
    %c0_i32_1 = arith.constant 0 : i32
    return %add3A_0, %c0_i32 : i32, i32
  }
  func.func @transform_3(%arg0: i32) -> (i32, i32) {
    %c0_i32 = arith.constant 0 : i32
    %c0_i32_0 = arith.constant 0 : i32
    return %arg0, %c0_i32 : i32, i32
  }
  func.func @transform_4(%arg0: i32) -> (i32, i32) {
    %c0_i32 = arith.constant 0 : i32
    %c0_i32_0 = arith.constant 0 : i32
    return %arg0, %c0_i32 : i32, i32
  }
  func.func @transform_5(%arg0: i32) -> (i32, i32) {
    %c0_i32 = arith.constant 0 : i32
    %c0_i32_0 = arith.constant 0 : i32
    return %arg0, %c0_i32 : i32, i32
  }
}

module attributes {stable_mosaic.version = 14 : i64} {
  func.func @_shared_body(%arg0: i32, %arg1: memref<256x1024xf32, #tpu.memory_space<vmem>>, %arg2: memref<1024x1024xf32, #tpu.memory_space<vmem>>, %arg3: memref<1024x1024xf32, #tpu.memory_space<vmem>>, %arg4: memref<1024x1024xf32, #tpu.memory_space<vmem>>, %arg5: memref<256x1024xf32, #tpu.memory_space<vmem>>) attributes {dimension_semantics = [#tpu.dimension_semantics<arbitrary>], iteration_bounds = array<i64: 8>, scalar_prefetch = 0 : i64, scratch_operands = 0 : i64, tpu.core_type = #tpu.core_type<tc>, window_params = [{transform_indices = @transform_0, window_bounds = array<i64: 256, 1024>}, {pipeline_mode = #tpu.pipeline_mode<synchronous>, transform_indices = @transform_1, window_bounds = array<i64: 1024, 1024>}, {pipeline_mode = #tpu.pipeline_mode<synchronous>, transform_indices = @transform_2, window_bounds = array<i64: 1024, 1024>}, {pipeline_mode = #tpu.pipeline_mode<synchronous>, transform_indices = @transform_3, window_bounds = array<i64: 1024, 1024>}, {transform_indices = @transform_4, window_bounds = array<i64: 256, 1024>}]} {
    %get3A = arith.constant 0 : index
    %get3A_0 = arith.constant 0 : index
    %get3A_1 = vector.load %arg1[%get3A, %get3A_0] : memref<256x1024xf32, #tpu.memory_space<vmem>>, vector<256x1024xf32>
    %convert_element_type3A = arith.truncf %get3A_1 : vector<256x1024xf32> to vector<256x1024xbf16>
    %get3A_2 = arith.constant 0 : index
    %get3A_3 = arith.constant 0 : index
    %get3A_4 = vector.load %arg2[%get3A_2, %get3A_3] : memref<1024x1024xf32, #tpu.memory_space<vmem>>, vector<1024x1024xf32>
    %convert_element_type3A_5 = arith.truncf %get3A_4 : vector<1024x1024xf32> to vector<1024x1024xbf16>
    %get3A_6 = arith.constant 0 : index
    %get3A_7 = arith.constant 0 : index
    %get3A_8 = vector.load %arg3[%get3A_6, %get3A_7] : memref<1024x1024xf32, #tpu.memory_space<vmem>>, vector<1024x1024xf32>
    %convert_element_type3A_9 = arith.truncf %get3A_8 : vector<1024x1024xf32> to vector<1024x1024xbf16>
    %get3A_10 = arith.constant 0 : index
    %get3A_11 = arith.constant 0 : index
    %get3A_12 = vector.load %arg4[%get3A_10, %get3A_11] : memref<1024x1024xf32, #tpu.memory_space<vmem>>, vector<1024x1024xf32>
    %convert_element_type3A_13 = arith.truncf %get3A_12 : vector<1024x1024xf32> to vector<1024x1024xbf16>
    %dot_general3A = arith.constant dense<0.000000e+00> : vector<256x1024xf32>
    %dot_general3A_14 = tpu.matmul %convert_element_type3A, %convert_element_type3A_5, %dot_general3A {dimension_numbers = #tpu.dot_dimension_numbers<[1], [1], [0], [0], [0, 0, 1, 0], [], []>, transpose_lhs_hint = false} : vector<256x1024xbf16>, vector<1024x1024xbf16>, vector<256x1024xf32> -> vector<256x1024xf32>
    %dot_general3A_15 = arith.constant dense<0.000000e+00> : vector<256x1024xf32>
    %dot_general3A_16 = tpu.matmul %convert_element_type3A, %convert_element_type3A_9, %dot_general3A_15 {dimension_numbers = #tpu.dot_dimension_numbers<[1], [1], [0], [0], [0, 0, 1, 0], [], []>, transpose_lhs_hint = false} : vector<256x1024xbf16>, vector<1024x1024xbf16>, vector<256x1024xf32> -> vector<256x1024xf32>
    %neg3A = arith.constant 0.000000e+00 : f32
    %neg3A_17 = vector.broadcast %neg3A : f32 to vector<256x1024xf32>
    %neg3A_18 = arith.subf %neg3A_17, %dot_general3A_14 : vector<256x1024xf32>
    %exp3A = math.exp %neg3A_18 : vector<256x1024xf32>
    %add3A = arith.constant 1.000000e+00 : f32
    %add3A_19 = vector.broadcast %add3A : f32 to vector<256x1024xf32>
    %add3A_20 = arith.addf %add3A_19, %exp3A : vector<256x1024xf32>
    %div3A = arith.divf %dot_general3A_14, %add3A_20 : vector<256x1024xf32>
    %mul3A = arith.mulf %div3A, %dot_general3A_16 : vector<256x1024xf32>
    %convert_element_type3A_21 = arith.truncf %mul3A : vector<256x1024xf32> to vector<256x1024xbf16>
    %dot_general3A_22 = arith.constant dense<0.000000e+00> : vector<256x1024xf32>
    %dot_general3A_23 = tpu.matmul %convert_element_type3A_21, %convert_element_type3A_13, %dot_general3A_22 {dimension_numbers = #tpu.dot_dimension_numbers<[1], [1], [0], [0], [0, 0, 1, 0], [], []>, transpose_lhs_hint = false} : vector<256x1024xbf16>, vector<1024x1024xbf16>, vector<256x1024xf32> -> vector<256x1024xf32>
    %swap3A = arith.constant 0 : index
    %swap3A_24 = arith.constant 0 : index
    %swap3A_25 = vector.load %arg5[%swap3A, %swap3A_24] : memref<256x1024xf32, #tpu.memory_space<vmem>>, vector<256x1024xf32>
    tpu.vector_store %arg5[%swap3A, %swap3A_24], %dot_general3A_23 {strides = array<i32>} : memref<256x1024xf32, #tpu.memory_space<vmem>>, vector<256x1024xf32>,
    return
  }
  func.func @transform_0(%arg0: i32) -> (i32, i32) {
    %c0_i32 = arith.constant 0 : i32
    %c0_i32_0 = arith.constant 0 : i32
    return %arg0, %c0_i32 : i32, i32
  }
  func.func @transform_1(%arg0: i32) -> (i32, i32) {
    %c0_i32 = arith.constant 0 : i32
    %c0_i32_0 = arith.constant 0 : i32
    %c0_i32_1 = arith.constant 0 : i32
    return %c0_i32, %c0_i32_0 : i32, i32
  }
  func.func @transform_2(%arg0: i32) -> (i32, i32) {
    %c0_i32 = arith.constant 0 : i32
    %c0_i32_0 = arith.constant 0 : i32
    %c0_i32_1 = arith.constant 0 : i32
    return %c0_i32, %c0_i32_0 : i32, i32
  }
  func.func @transform_3(%arg0: i32) -> (i32, i32) {
    %c0_i32 = arith.constant 0 : i32
    %c0_i32_0 = arith.constant 0 : i32
    %c0_i32_1 = arith.constant 0 : i32
    return %c0_i32, %c0_i32_0 : i32, i32
  }
  func.func @transform_4(%arg0: i32) -> (i32, i32) {
    %c0_i32 = arith.constant 0 : i32
    %c0_i32_0 = arith.constant 0 : i32
    return %arg0, %c0_i32 : i32, i32
  }
}

</mosaic_0001>

<sc_bundles>
// kernel: kernel.11.cloned.1.call-start
scs
__scs_entry_jumppad:
0x0: {  	(pc) =	sbr.rel $0x88, $3  }
0x1: {  	(tag) =	ssettag $0x0;
	lr =	simm.s32 $0x1  }
0x2: {  	[smem:$0x3F99] =	sst lr;
	_ =	strace $0xD0000000  }
0x3: {  	_ = 	snop  }
0x4: {  	_ = 	snop  }
0x5: {  	_ = 	snop  }
0x6: {  	_ = 	snop  }
0x7: {  	_ = 	snop  }
__scs_overlays_trampoline_lowered:
0x8: {  	[smem:$0x3FA8] =	sst s0  }
0x9: {  	[smem:$0x3FA9] =	sst s1  }
0xa: {  	[smem:$0x3FAA] =	sst s2  }
0xb: {  	[smem:$0x3FAB] =	sst s3  }
0xc: {  	[smem:$0x3FAC] =	sst s4  }
0xd: {  	[smem:$0x3FAD] =	sst s5  }
0xe: {  	[smem:$0x3FAE] =	sst s6  }
0xf: {  	[smem:$0x3FAF] =	sst s7  }
0x10: {  	[smem:$0x3FB0] =	sst s8  }
0x11: {  	[smem:$0x3FB1] =	sst s9;
	s0 =	simm.s32 @!p0 $0x0  }
0x12: {  	s1 =	sld [smem:$0x3F97];
	s0 =	simm.s32 @p0 $0x1  }
0x13: {  	[smem:$0x3FB2] =	sst s0;
	s0 =	simm.s32 @!p1 $0x0  }
0x14: {  	s2 =	sld [smem:$0x3F96];
	s0 =	simm.s32 @p1 $0x1  }
0x15: {  	[smem:$0x3FB3] =	sst s0;
	s0 =	simm.s32 @!p2 $0x0  }
0x16: {  	s3 =	sld [smem:$0x3FDB];
	s0 =	simm.s32 @p2 $0x1  }
0x17: {  	s4 =	simm.s32 $0x1BF5;
	[smem:$0x3FB5] =	sst s0  }
0x18: {  	s0 =	sld [smem:$0x3F98];
	_ =	swait.ge [sflag:s4], $0x0  }
0x19: {  	s7 =	sld [smem:$0x3F99]  }
0x1a: {  	s8 =	sadd.s32 $0xFFFFE003, lr  }
0x1b: {  	s9 =	sadd.s32 $0xFFFFFEF7, lr;
	s5 =	simm.s32 $0xFFFFFFFF;
	p2 =	slt.u32 s8, $0xFFFFF086  }
0x1c: {  	p1 =	slt.u32 s9, $0xF7A;
	s5 =	simm.s32 @!p2 $0x0  }
0x1d: {  	s5 =	simm.s32 @p1 $0x1;
	p0 =	seq.s32 s7, s2  }
0x1e: {  	s7 =	smul.u32 @!p0 $0xF7A, s2;
	p2 =	seq.s32 @!p0 s5, $0x0  }
0x1f: {  	s9 =	smul.u32 $0xF7A, s1;
	s8 =	simm.s32 @!p0 $0x1BF5;
	p2 =	por !p2, p0  }
0x20: {  	[sflag:s8] =	ssyncset.s32 @!p0 $0xFFFFF086;
	s6 =	sadd.s32 @!p0 s3, s7;
	s7 =	simm.s32 @!p0 $0x108  }
0x21: {  	s3 =	sadd.s32 s3, s9;
	s6 =	sadd.s32 @!p0 $0x88, s6;
	s7 =	simm.s32 @p2 $0x1082  }
0x22: {  	[simem:s7], [sflag:s8] =	dma.local @!p0 [hbm:s6], $0xF7A  }
0x23: {  	s9 =	sor.u32 $0xD0000000, s2;
	s6 =	simm.s32 $0x108;
	_ =	swait.ge @!p0 [sflag:s8], $0x0  }
0x24: {  	s3 =	sadd.s32 $0x88, s3;
	s6 =	simm.s32 @!p1 $0x1082;
	[sflag:s4] =	ssyncset.s32 $0xFFFFF086  }
0x25: {  	[simem:s6], [sflag:s4] =	dma.local [hbm:s3], $0xF7A  }
0x26: {  	[smem:$0x3F99] =	sst s1;
	(tag) =	ssettag s2;
	_ =	strace s9  }
0x27: {  	s1 =	sld [smem:$0x3FA9]  }
0x28: {  	s2 =	sld [smem:$0x3FAA]  }
0x29: {  	s4 =	sld [smem:$0x3FAC]  }
0x2a: {  	p0 =	seq.s32 s5, $0x0;
	s5 =	sld [smem:$0x3FAD]  }
0x2b: {  	s6 =	sld [smem:$0x3FAE]  }
0x2c: {  	s7 =	sld [smem:$0x3FAF]  }
0x2d: {  	s3 =	simm.s32 $0x108;
	s8 =	sld [smem:$0x3FB0]  }
0x2e: {  	s3 =	simm.s32 @!p0 $0x1082;
	s9 =	sld [smem:$0x3FB1]  }
0x2f: {  	lr =	sadd.s32 s0, s3;
	s0 =	sld [smem:$0x3FA8]  }
0x30: {  	s3 =	sld [smem:$0x3FAB]  }
0x31: {  	[smem:$0x3FB4] =	sst s10  }
0x32: {  	s10 =	sld [smem:$0x3FB2];
	_ =	sdelay $0x3  }
0x33: {  	p0 =	seq.s32 s10, $0x1;
	s10 =	sld [smem:$0x3FB4];
	_ =	sdelay $0x3  }
0x34: {  	[smem:$0x3FB4] =	sst s10  }
0x35: {  	s10 =	sld [smem:$0x3FB3];
	_ =	sdelay $0x3  }
0x36: {  	p1 =	seq.s32 s10, $0x1;
	s10 =	sld [smem:$0x3FB4];
	_ =	sdelay $0x3  }
0x37: {  	[smem:$0x3FB4] =	sst s10  }
0x38: {  	s10 =	sld [smem:$0x3FB5]  }
0x39: {  	_ = 	snop;
	(pc) =	sbr.ind lr, $3  }
0x3a: {  	_ = 	snop  }
0x3b: {  	_ = 	snop  }
0x3c: {  	p2 =	seq.s32 s10, $0x1;
	s10 =	sld [smem:$0x3FB4]  }
0x3d: {  	_ =	shalt  }
0x3e: {  	_ =	shalt  }
0x3f: {  	_ =	shalt  }
0x40: {  	_ =	shalt  }
0x41: {  	_ =	shalt  }
0x42: {  	_ =	shalt  }
0x43: {  	_ =	shalt  }
0x44: {  	_ =	shalt  }
0x45: {  	_ =	shalt  }
0x46: {  	_ =	shalt  }
0x47: {  	_ =	shalt  }
0x48: {  	_ =	shalt  }
0x49: {  	_ =	shalt  }
0x4a: {  	_ =	shalt  }
0x4b: {  	_ =	shalt  }
0x4c: {  	_ =	shalt  }
0x4d: {  	_ =	shalt  }
0x4e: {  	_ =	shalt  }
0x4f: {  	_ =	shalt  }
0x50: {  	_ =	shalt  }
0x51: {  	_ =	shalt  }
0x52: {  	_ =	shalt  }
0x53: {  	_ =	shalt  }
0x54: {  	_ =	shalt  }
0x55: {  	_ =	shalt  }
0x56: {  	_ =	shalt  }
0x57: {  	_ =	shalt  }
0x58: {  	_ =	shalt  }
0x59: {  	_ =	shalt  }
0x5a: {  	_ =	shalt  }
0x5b: {  	_ =	shalt  }
0x5c: {  	_ =	shalt  }
0x5d: {  	_ =	shalt  }
0x5e: {  	_ =	shalt  }
0x5f: {  	_ =	shalt  }
0x60: {  	_ =	shalt  }
0x61: {  	_ =	shalt  }
0x62: {  	_ =	shalt  }
0x63: {  	_ =	shalt  }
0x64: {  	_ =	shalt  }
0x65: {  	_ =	shalt  }
0x66: {  	_ =	shalt  }
0x67: {  	_ =	shalt  }
0x68: {  	_ =	shalt  }
0x69: {  	_ =	shalt  }
0x6a: {  	_ =	shalt  }
0x6b: {  	_ =	shalt  }
0x6c: {  	_ =	shalt  }
0x6d: {  	_ =	shalt  }
0x6e: {  	_ =	shalt  }
0x6f: {  	_ =	shalt  }
0x70: {  	_ =	shalt  }
0x71: {  	_ =	shalt  }
0x72: {  	_ =	shalt  }
0x73: {  	_ =	shalt  }
0x74: {  	_ =	shalt  }
0x75: {  	_ =	shalt  }
0x76: {  	_ =	shalt  }
0x77: {  	_ =	shalt  }
0x78: {  	_ =	shalt  }
0x79: {  	_ =	shalt  }
0x7a: {  	_ =	shalt  }
0x7b: {  	_ =	shalt  }
0x7c: {  	_ =	shalt  }
0x7d: {  	_ =	shalt  }
0x7e: {  	_ =	shalt  }
0x7f: {  	_ =	shalt  }
0x80: {  	_ =	shalt  }
0x81: {  	_ =	shalt  }
0x82: {  	_ =	shalt  }
0x83: {  	_ =	shalt  }
0x84: {  	_ =	shalt  }
0x85: {  	_ =	shalt  }
0x86: {  	_ =	shalt  }
0x87: {  	_ =	shalt  }
.Lfunc_end0:
.L_simem_size_0:
called_computation.1_lowered:
.L_overlay_start_0:
0x88: {  	s2 =	sld [smem:$0x3FD9]  }
0x89: {  	s3 =	sld [smem:$0x3FFE];
	_ =	sdelay $0x1  }
0x8a: {  	s1 =	srdreg.scid  }
0x8b: {  	s0 =	sand.u32 $0x1, s1  }
0x8c: {  	s17 =	sshll.u32 s0, $0xA;
	s2 =	sadd.s32 s3, s2  }
0x8d: {  	s2 =	sadd.s32 s2, s17  }
0x8e: {  	[smem:$0x3FC0] =	sst s2  }
0x8f: {  	_ = 	snop  }
0x90: {  	s2 =	sld [smem:$0x3FD0];
	(tm) =	ssettm $0x1  }
0x91: {  	s18 =	sld [smem:$0x3FFB];
	_ =	sdelay $0x3  }
0x92: {  	_ =	strace s18  }
0x93: {  	s3 =	sld [smem:$0x3FFC];
	_ =	sdelay $0x3  }
0x94: {  	_ =	strace s3  }
0x95: {  	s3 =	sld [smem:$0x3FFD];
	_ =	sdelay $0x3  }
0x96: {  	_ =	strace s3  }
0x97: {  	_ =	strace $0x8FFFFFFF  }
0x98: {  	s19 =	sld [smem:$0x3FDB];
	_ =	sdelay $0x1  }
0x99: {  	s4 =	simm.s32 $_scs_section_size  }
0x9a: {  	s5 =	simm.s32 $_size__tile_overlayer_lowered;
	s6 =	simm.s32 $_tile_overlayer_lowered  }
0x9b: {  	s22 =	simm.s32 $0x1BFF;
	s21 =	sshll.u32 s6, $0x1;
	s3 =	sadd.s32 s4, s19  }
0x9c: {  	s7 =	simm.s32 $0x0;
	s20 =	sshll.u32 s5, $0x1;
	s5 =	sadd.s32 s21, s3  }
0x9d: {  	[timem:s7], [sflag:s22] =	dma.local [hbm:s5], s20  }
0x9e: {  	_ =	swait.ge [sflag:s22], s20  }
0x9f: {  	s4 =	ssub.s32 $0x0, s20;
	[sflag:s22] =	ssyncset.done $0x0  }
0xa0: {  	[sflag:s22] =	ssyncadd.s32 s4;
	_ =	sdelay $0x1  }
0xa1: {  	s23 =	simm.s32 $0x1B8B  }
0xa2: {  	_ =	swait.ge [sflag:s23], $0x1  }
0xa3: {  	[sflag:s23] =	ssyncset.done $0x0  }
0xa4: {  	s25 =	simm.s32 $0x1B8E;
	s24 =	sld [smem:$0x3FFE];
	[sflag:s23] =	ssyncadd.s32 $0xFFFFFFFF  }
0xa5: {  	s26 =	simm.s32 $execute0_lowered;
	[smem:$0x3FD2] =	sst s25  }
0xa6: {  	s5 =	sshll.u32 s26, $0x1;
	_ =	strace $0x80000049;
	[dreg:$0x1] =	wrdreg $0xFFFFFFFF  }
0xa7: {  	s28 =	simm.s32 $_size_execute0_lowered;
	s3 =	sadd.s32 s3, s5;
	[dreg:$0x0] =	wrdreg $0x0  }
0xa8: {  	s5 =	sshll.u32 s28, $0x1;
	[dreg:$0x2] =	wrdreg s3  }
0xa9: {  	[dreg:$0x3] =	wrdreg s5  }
0xaa: {  	[dreg:$0x4] =	wrdreg $0xC0  }
0xab: {  	_ =	task [dreg:s7], $0x5FFFF  }
0xac: {  	[dreg:$0x1] =	wrdreg $0xFFFFFFFF  }
0xad: {  	[dreg:$0x0] =	wrdreg $0x60  }
0xae: {  	[dreg:$0x2] =	wrdreg s24  }
0xaf: {  	[dreg:$0x3] =	wrdreg s2  }
0xb0: {  	[dreg:$0x4] =	wrdreg $0x9  }
0xb1: {  	_ =	task.clear_ibuf [dreg:s7], $0x5FFFF;
	_ =	strace $0x90000049  }
0xb2: {  	s29 =	simm.s32 $0x9;
	_ =	strace $0x8000004B  }
0xb3: {  	_ =	swait.ge [sflag:s29], $0x1  }
0xb4: {  	[sflag:s29] =	ssyncadd.s32 $0xFFFFFFFF  }
0xb5: {  	_ =	strace $0x9000004B  }
0xb6: {  	_ =	sfence  }
0xb7: {  	s30 =	sld [smem:$0x0];
	_ =	sdelay $0x2  }
0xb8: {  	s31 =	sshll.u32 s1, $0xD;
	s1 =	sshrl.u32 s1, $0x2  }
0xb9: {  	s3 =	sand.u32 $0x4000, s31;
	s1 =	sadd.s32 s1, s30  }
0xba: {  	s0 =	sor.u32 s3, s0;
	s1 =	sshll.u32 s1, $0x11  }
0xbb: {  	s0 =	sor.u32 s1, s0  }
0xbc: {  	s0 =	sadd.s32 $0x8F2B, s0  }
0xbd: {  	[sflag:s0] =	ssyncadd.remote.s32 $0x1  }
0xbe: {  	_ =	sfence.sel $0xFFFF  }
0xbf: {  	[dreg:$0x0] =	wrdreg $0xFFFFFFFF;
	(pc) =	sbr.abs _section_cstart, $3  }
0xc0: {  	[dreg:$0x1] =	wrdreg $0xFFFFFFFF  }
0xc1: {  	_ =	task.clear_ibuf [dreg:s7], $0x2FFFF;
	_ =	strace $0x9FFFFFFF  }
0xc2: {  	(tm) =	ssettm $0x7FFFFFFF  }
0xc3: {  	_ =	shalt  }
tec
execute0_lowered:
.L_overlay_start_1:
0x0: {  	(tag) =	ssettag $0x1  }
0x1: {  	s0 =	rddreg [dreg:$0x0]  }
0x2: {  	s1 =	rddreg [dreg:$0x1]  }
0x3: {  	s2 =	simm.s32 $0x0;
	s3 =	srdreg.scid;
	s5 =	stileid.u32  }
0x4: {  	s18 =	simm.s32 $0x1;
	s20 =	simm.s32 $0x900;
	s21 =	simm.s32 $0x1100  }
0x5: {  	s22 =	simm.s32 $0x1900;
	s23 =	simm.s32 $0x2100;
	s28 =	simm.s32 $0x4100  }
0x6: {  	s29 =	simm.s32 $0x4900;
	s30 =	simm.s32 $0x5100;
	s31 =	simm.s32 $0x5900  }
0x7: {  	s10 =	simm.s32 $0x7100;
	s11 =	simm.s32 $0x7900;
	s12 =	simm.s32 $0x8100  }
0x8: {  	s13 =	simm.s32 $0x8900;
	s14 =	simm.s32 $0x9100;
	s15 =	simm.s32 $0x9900  }
0x9: {  	s16 =	simm.s32 $0xA100;
	s17 =	simm.s32 $0xA900;
	s9 =	simm.s32 $0xB100  }
0xa: {  	[smem:$0x7FF] =	sst s2;
	s4 =	sand.u32 $0x1, s3;
	s24 =	sshll.u32 s5, $0x1  }
0xb: {  	s3 =	sadd.s32 $0xC1400, s0;
	_ =	strace $0x8000004A;
	s5 =	sor.u32 s4, s24  }
0xc: {  	s4 =	ssub.s32 $0x2, s4;
	s24 =	simm.s32 $0x2900;
	s6 =	sshll.u32 s5, $0x5  }
0xd: {  	s5 =	sshll.u32 s5, $0xE;
	s7 =	sshrl.u32 s4, $0x1;
	s1 =	sadd.s32 s1, s6  }
0xe: {  	s8 =	sadd.s32 s5, s0;
	s7 =	ssub.s32 s4, s7;
	s4 =	sadd.s32 $0xC1500, s0  }
0xf: {  	s5 =	sadd.s32 $0xC1600, s0;
	s6 =	sadd.s32 $0xC1700, s0;
	s0 =	simm.s32 $0x100  }
0x10: {  	v2 =	vlaneseq.u32;
	[dreg:$0x3] =	wrdreg s1;
	s25 =	sadd.s32 $0x1400, s8;
	s26 =	sadd.s32 $0x3400, s8  }
0x11: {  	vm0 =	vmmov $0xffff;
	v1 =	vshrl.u32 v2, $0x3;
	s7 =	smax.u32 s7, $0x1;
	s8 =	simm.s32 $0x2;
	[dreg:$0x4] =	wrdreg s25  }
0x12: {  	v0 =	vand.u32 $0x7, v2;
	v2 =	vor.u32 $0x8, v2;
	v1 =	vmul.u32 $0x8, v1;
	[dreg:$0x5] =	wrdreg s26;
	s25 =	simm.s32 $0x3100;
	s26 =	simm.s32 $0x3900  }
.LBB2_1:
0x13: {  	s19 =	rddreg [dreg:$0x3]  }
0x14: {  	[tilespmem:s2], [sflag:$0x2] =	stream.linear.gather [hbm4b:s19+s2], $0x100, $0x38;
	[tilespmem:$0x10100] =	vst v63  }
0x15: {  	_ =	swait.ge [sflag:s8], $0x100  }
0x16: {  	[sflag:s8] =	ssyncset.done $0x0  }
0x17: {  	[sflag:s8] =	ssyncadd.s32 $0xFFFFFF00  }
0x18: {  	v3 =	vld [tilespmem:$0x0];
	_ =	sdelay $0x4  }
0x19: {  	v4 =	vshll.u32 v3, $0x3  }
0x1a: {  	v3 =	vand.u32 $0x7, v3;
	v4 =	vand.u32 $0xFFFFFFC0, v4  }
0x1b: {  	v3 =	vor.u32 v3, v4  }
0x1c: {  	v4 =	vperm.xlane v3, v0;
	_ =	sdelay $0x1  }
0x1d: {  	v4 =	vadd.s32 v1, v4;
	_ =	sdelay $0x4  }
0x1e: {  	[tilespmem:s0], [sflag:$0x1] =	stream.indirect_vreg.gather [hbm4b:s3+s2], $0x80, v4, vm0, $0xb8;
	[tilespmem:$0x10100] =	vst v63  }
0x1f: {  	v3 =	vperm.xlane v3, v2  }
0x20: {  	[tilespmem:s20], [sflag:$0x1] =	stream.indirect_vreg.gather [hbm4b:s4+s2], $0x80, v4, vm0, $0xb8;
	[tilespmem:$0x10100] =	vst v63  }
0x21: {  	v3 =	vadd.s32 v1, v3  }
0x22: {  	[tilespmem:s21], [sflag:$0x1] =	stream.indirect_vreg.gather [hbm4b:s5+s2], $0x80, v4, vm0, $0xb8;
	[tilespmem:$0x10100] =	vst v63  }
0x23: {  	_ = 	snop  }
0x24: {  	[tilespmem:s22], [sflag:$0x1] =	stream.indirect_vreg.gather [hbm4b:s6+s2], $0x80, v4, vm0, $0xb8;
	[tilespmem:$0x10100] =	vst v63  }
0x25: {  	_ = 	snop  }
0x26: {  	[tilespmem:s23], [sflag:$0x1] =	stream.indirect_vreg.gather [hbm4b:s3+s2], $0x80, v3, vm0, $0xb8;
	[tilespmem:$0x10100] =	vst v63  }
0x27: {  	_ = 	snop  }
0x28: {  	[tilespmem:s24], [sflag:$0x1] =	stream.indirect_vreg.gather [hbm4b:s4+s2], $0x80, v3, vm0, $0xb8;
	[tilespmem:$0x10100] =	vst v63  }
0x29: {  	_ = 	snop  }
0x2a: {  	[tilespmem:s25], [sflag:$0x1] =	stream.indirect_vreg.gather [hbm4b:s5+s2], $0x80, v3, vm0, $0xb8;
	[tilespmem:$0x10100] =	vst v63  }
0x2b: {  	_ = 	snop  }
0x2c: {  	[tilespmem:s26], [sflag:$0x1] =	stream.indirect_vreg.gather [hbm4b:s6+s2], $0x80, v3, vm0, $0xb8;
	[tilespmem:$0x10100] =	vst v63  }
0x2d: {  	v3 =	vld [tilespmem:$0x10];
	_ =	sdelay $0x4  }
0x2e: {  	v57 =	vshll.u32 v3, $0x3  }
0x2f: {  	v3 =	vand.u32 $0x7, v3;
	v4 =	vand.u32 $0xFFFFFFC0, v57  }
0x30: {  	v3 =	vor.u32 v3, v4  }
0x31: {  	v4 =	vperm.xlane v3, v0;
	_ =	sdelay $0x1  }
0x32: {  	v4 =	vadd.s32 v1, v4;
	_ =	sdelay $0x4  }
0x33: {  	[tilespmem:s28], [sflag:$0x1] =	stream.indirect_vreg.gather [hbm4b:s3+s2], $0x80, v4, vm0, $0xb8;
	[tilespmem:$0x10100] =	vst v63  }
0x34: {  	v3 =	vperm.xlane v3, v2  }
0x35: {  	[tilespmem:s29], [sflag:$0x1] =	stream.indirect_vreg.gather [hbm4b:s4+s2], $0x80, v4, vm0, $0xb8;
	[tilespmem:$0x10100] =	vst v63  }
0x36: {  	v3 =	vadd.s32 v1, v3  }
0x37: {  	[tilespmem:s30], [sflag:$0x1] =	stream.indirect_vreg.gather [hbm4b:s5+s2], $0x80, v4, vm0, $0xb8;
	[tilespmem:$0x10100] =	vst v63  }
0x38: {  	_ = 	snop  }
0x39: {  	[tilespmem:s31], [sflag:$0x1] =	stream.indirect_vreg.gather [hbm4b:s6+s2], $0x80, v4, vm0, $0xb8;
	[tilespmem:$0x10100] =	vst v63  }
0x3a: {  	s1 =	simm.s32 $0x6100  }
0x3b: {  	[tilespmem:s1], [sflag:$0x1] =	stream.indirect_vreg.gather [hbm4b:s3+s2], $0x80, v3, vm0, $0xb8;
	[tilespmem:$0x10100] =	vst v63  }
0x3c: {  	s1 =	simm.s32 $0x6900  }
0x3d: {  	[tilespmem:s1], [sflag:$0x1] =	stream.indirect_vreg.gather [hbm4b:s4+s2], $0x80, v3, vm0, $0xb8;
	[tilespmem:$0x10100] =	vst v63  }
0x3e: {  	_ = 	snop  }
0x3f: {  	[tilespmem:s10], [sflag:$0x1] =	stream.indirect_vreg.gather [hbm4b:s5+s2], $0x80, v3, vm0, $0xb8;
	[tilespmem:$0x10100] =	vst v63  }
0x40: {  	_ = 	snop  }
0x41: {  	[tilespmem:s11], [sflag:$0x1] =	stream.indirect_vreg.gather [hbm4b:s6+s2], $0x80, v3, vm0, $0xb8;
	[tilespmem:$0x10100] =	vst v63  }
0x42: {  	v3 =	vld [tilespmem:$0x20];
	_ =	sdelay $0x4  }
0x43: {  	v58 =	vshll.u32 v3, $0x3  }
0x44: {  	v3 =	vand.u32 $0x7, v3;
	v4 =	vand.u32 $0xFFFFFFC0, v58  }
0x45: {  	v3 =	vor.u32 v3, v4  }
0x46: {  	v4 =	vperm.xlane v3, v0;
	_ =	sdelay $0x1  }
0x47: {  	v4 =	vadd.s32 v1, v4;
	_ =	sdelay $0x4  }
0x48: {  	[tilespmem:s12], [sflag:$0x1] =	stream.indirect_vreg.gather [hbm4b:s3+s2], $0x80, v4, vm0, $0xb8;
	[tilespmem:$0x10100] =	vst v63  }
0x49: {  	v3 =	vperm.xlane v3, v2  }
0x4a: {  	[tilespmem:s13], [sflag:$0x1] =	stream.indirect_vreg.gather [hbm4b:s4+s2], $0x80, v4, vm0, $0xb8;
	[tilespmem:$0x10100] =	vst v63  }
0x4b: {  	v3 =	vadd.s32 v1, v3  }
0x4c: {  	[tilespmem:s14], [sflag:$0x1] =	stream.indirect_vreg.gather [hbm4b:s5+s2], $0x80, v4, vm0, $0xb8;
	[tilespmem:$0x10100] =	vst v63  }
0x4d: {  	_ = 	snop  }
0x4e: {  	[tilespmem:s15], [sflag:$0x1] =	stream.indirect_vreg.gather [hbm4b:s6+s2], $0x80, v4, vm0, $0xb8;
	[tilespmem:$0x10100] =	vst v63  }
0x4f: {  	_ = 	snop  }
0x50: {  	[tilespmem:s16], [sflag:$0x1] =	stream.indirect_vreg.gather [hbm4b:s3+s2], $0x80, v3, vm0, $0xb8;
	[tilespmem:$0x10100] =	vst v63  }
0x51: {  	_ = 	snop  }
0x52: {  	[tilespmem:s17], [sflag:$0x1] =	stream.indirect_vreg.gather [hbm4b:s4+s2], $0x80, v3, vm0, $0xb8;
	[tilespmem:$0x10100] =	vst v63  }
0x53: {  	_ = 	snop  }
0x54: {  	[tilespmem:s9], [sflag:$0x1] =	stream.indirect_vreg.gather [hbm4b:s5+s2], $0x80, v3, vm0, $0xb8;
	[tilespmem:$0x10100] =	vst v63  }
0x55: {  	s19 =	simm.s32 $0xB900  }
0x56: {  	[tilespmem:s19], [sflag:$0x1] =	stream.indirect_vreg.gather [hbm4b:s6+s2], $0x80, v3, vm0, $0xb8;
	[tilespmem:$0x10100] =	vst v63  }
0x57: {  	v3 =	vld [tilespmem:$0x30];
	_ =	sdelay $0x4  }
0x58: {  	v59 =	vshll.u32 v3, $0x3  }
0x59: {  	v3 =	vand.u32 $0x7, v3;
	v4 =	vand.u32 $0xFFFFFFC0, v59  }
0x5a: {  	v3 =	vor.u32 v3, v4  }
0x5b: {  	v4 =	vperm.xlane v3, v0;
	_ =	sdelay $0x1  }
0x5c: {  	v4 =	vadd.s32 v1, v4;
	_ =	sdelay $0x3  }
0x5d: {  	s19 =	simm.s32 $0xC100  }
0x5e: {  	[tilespmem:s19], [sflag:$0x1] =	stream.indirect_vreg.gather [hbm4b:s3+s2], $0x80, v4, vm0, $0xb8;
	[tilespmem:$0x10100] =	vst v63  }
0x5f: {  	v3 =	vperm.xlane v3, v2;
	s19 =	simm.s32 $0xC900  }
0x60: {  	[tilespmem:s19], [sflag:$0x1] =	stream.indirect_vreg.gather [hbm4b:s4+s2], $0x80, v4, vm0, $0xb8;
	[tilespmem:$0x10100] =	vst v63  }
0x61: {  	v3 =	vadd.s32 v1, v3;
	s19 =	simm.s32 $0xD100  }
0x62: {  	[tilespmem:s19], [sflag:$0x1] =	stream.indirect_vreg.gather [hbm4b:s5+s2], $0x80, v4, vm0, $0xb8;
	[tilespmem:$0x10100] =	vst v63  }
0x63: {  	s19 =	simm.s32 $0xD900  }
0x64: {  	[tilespmem:s19], [sflag:$0x1] =	stream.indirect_vreg.gather [hbm4b:s6+s2], $0x80, v4, vm0, $0xb8;
	[tilespmem:$0x10100] =	vst v63  }
0x65: {  	s19 =	simm.s32 $0xE100  }
0x66: {  	[tilespmem:s19], [sflag:$0x1] =	stream.indirect_vreg.gather [hbm4b:s3+s2], $0x80, v3, vm0, $0xb8;
	[tilespmem:$0x10100] =	vst v63  }
0x67: {  	s19 =	simm.s32 $0xE900  }
0x68: {  	[tilespmem:s19], [sflag:$0x1] =	stream.indirect_vreg.gather [hbm4b:s4+s2], $0x80, v3, vm0, $0xb8;
	[tilespmem:$0x10100] =	vst v63  }
0x69: {  	s19 =	simm.s32 $0xF100  }
0x6a: {  	[tilespmem:s19], [sflag:$0x1] =	stream.indirect_vreg.gather [hbm4b:s5+s2], $0x80, v3, vm0, $0xb8;
	[tilespmem:$0x10100] =	vst v63  }
0x6b: {  	s19 =	simm.s32 $0xF900  }
0x6c: {  	[tilespmem:s19], [sflag:$0x1] =	stream.indirect_vreg.gather [hbm4b:s6+s2], $0x80, v3, vm0, $0xb8;
	[tilespmem:$0x10100] =	vst v63  }
0x6d: {  	_ =	swait.ge [sflag:s18], $0x10000  }
0x6e: {  	[sflag:s18] =	ssyncset.done $0x0  }
0x6f: {  	s19 =	rddreg [dreg:$0x4];
	[sflag:s18] =	ssyncadd.s32 $0xFFFF0000  }
0x70: {  	[hbm4b:s19+s2] =	stream.linear.scatter [tilespmem:s0], [sflag:$0x2], $0x10000, $0x38;
	[tilespmem:$0x10100] =	vst v63  }
0x71: {  	_ =	swait.ge [sflag:s8], $0x10000  }
0x72: {  	[sflag:s8] =	ssyncset.done $0x0  }
0x73: {  	[sflag:s8] =	ssyncadd.s32 $0xFFFF0000  }
0x74: {  	v3 =	vld [tilespmem:$0x80];
	_ =	sdelay $0x4  }
0x75: {  	v60 =	vshll.u32 v3, $0x3  }
0x76: {  	v3 =	vand.u32 $0x7, v3;
	v4 =	vand.u32 $0xFFFFFFC0, v60  }
0x77: {  	v3 =	vor.u32 v3, v4  }
0x78: {  	v4 =	vperm.xlane v3, v0;
	_ =	sdelay $0x1  }
0x79: {  	v4 =	vadd.s32 v1, v4;
	_ =	sdelay $0x4  }
0x7a: {  	[tilespmem:s0], [sflag:$0x1] =	stream.indirect_vreg.gather [hbm4b:s3+s2], $0x80, v4, vm0, $0xb8;
	[tilespmem:$0x10100] =	vst v63  }
0x7b: {  	v3 =	vperm.xlane v3, v2  }
0x7c: {  	[tilespmem:s20], [sflag:$0x1] =	stream.indirect_vreg.gather [hbm4b:s4+s2], $0x80, v4, vm0, $0xb8;
	[tilespmem:$0x10100] =	vst v63  }
0x7d: {  	v3 =	vadd.s32 v1, v3  }
0x7e: {  	[tilespmem:s21], [sflag:$0x1] =	stream.indirect_vreg.gather [hbm4b:s5+s2], $0x80, v4, vm0, $0xb8;
	[tilespmem:$0x10100] =	vst v63  }
0x7f: {  	_ = 	snop  }
0x80: {  	[tilespmem:s22], [sflag:$0x1] =	stream.indirect_vreg.gather [hbm4b:s6+s2], $0x80, v4, vm0, $0xb8;
	[tilespmem:$0x10100] =	vst v63  }
0x81: {  	_ = 	snop  }
0x82: {  	[tilespmem:s23], [sflag:$0x1] =	stream.indirect_vreg.gather [hbm4b:s3+s2], $0x80, v3, vm0, $0xb8;
	[tilespmem:$0x10100] =	vst v63  }
0x83: {  	_ = 	snop  }
0x84: {  	[tilespmem:s24], [sflag:$0x1] =	stream.indirect_vreg.gather [hbm4b:s4+s2], $0x80, v3, vm0, $0xb8;
	[tilespmem:$0x10100] =	vst v63  }
0x85: {  	_ = 	snop  }
0x86: {  	[tilespmem:s25], [sflag:$0x1] =	stream.indirect_vreg.gather [hbm4b:s5+s2], $0x80, v3, vm0, $0xb8;
	[tilespmem:$0x10100] =	vst v63  }
0x87: {  	_ = 	snop  }
0x88: {  	[tilespmem:s26], [sflag:$0x1] =	stream.indirect_vreg.gather [hbm4b:s6+s2], $0x80, v3, vm0, $0xb8;
	[tilespmem:$0x10100] =	vst v63  }
0x89: {  	v3 =	vld [tilespmem:$0x90];
	_ =	sdelay $0x4  }
0x8a: {  	v61 =	vshll.u32 v3, $0x3  }
0x8b: {  	v3 =	vand.u32 $0x7, v3;
	v4 =	vand.u32 $0xFFFFFFC0, v61  }
0x8c: {  	v3 =	vor.u32 v3, v4  }
0x8d: {  	v4 =	vperm.xlane v3, v0;
	_ =	sdelay $0x1  }
0x8e: {  	v4 =	vadd.s32 v1, v4;
	_ =	sdelay $0x4  }
0x8f: {  	[tilespmem:s28], [sflag:$0x1] =	stream.indirect_vreg.gather [hbm4b:s3+s2], $0x80, v4, vm0, $0xb8;
	[tilespmem:$0x10100] =	vst v63  }
0x90: {  	v3 =	vperm.xlane v3, v2  }
0x91: {  	[tilespmem:s29], [sflag:$0x1] =	stream.indirect_vreg.gather [hbm4b:s4+s2], $0x80, v4, vm0, $0xb8;
	[tilespmem:$0x10100] =	vst v63  }
0x92: {  	v3 =	vadd.s32 v1, v3  }
0x93: {  	[tilespmem:s30], [sflag:$0x1] =	stream.indirect_vreg.gather [hbm4b:s5+s2], $0x80, v4, vm0, $0xb8;
	[tilespmem:$0x10100] =	vst v63  }
0x94: {  	_ = 	snop  }
0x95: {  	[tilespmem:s31], [sflag:$0x1] =	stream.indirect_vreg.gather [hbm4b:s6+s2], $0x80, v4, vm0, $0xb8;
	[tilespmem:$0x10100] =	vst v63  }
0x96: {  	s19 =	simm.s32 $0x6100  }
0x97: {  	[tilespmem:s19], [sflag:$0x1] =	stream.indirect_vreg.gather [hbm4b:s3+s2], $0x80, v3, vm0, $0xb8;
	[tilespmem:$0x10100] =	vst v63  }
0x98: {  	_ = 	snop  }
0x99: {  	[tilespmem:s1], [sflag:$0x1] =	stream.indirect_vreg.gather [hbm4b:s4+s2], $0x80, v3, vm0, $0xb8;
	[tilespmem:$0x10100] =	vst v63  }
0x9a: {  	_ = 	snop  }
0x9b: {  	[tilespmem:s10], [sflag:$0x1] =	stream.indirect_vreg.gather [hbm4b:s5+s2], $0x80, v3, vm0, $0xb8;
	[tilespmem:$0x10100] =	vst v63  }
0x9c: {  	_ = 	snop  }
0x9d: {  	[tilespmem:s11], [sflag:$0x1] =	stream.indirect_vreg.gather [hbm4b:s6+s2], $0x80, v3, vm0, $0xb8;
	[tilespmem:$0x10100] =	vst v63  }
0x9e: {  	v3 =	vld [tilespmem:$0xA0];
	_ =	sdelay $0x4  }
0x9f: {  	v62 =	vshll.u32 v3, $0x3  }
0xa0: {  	v3 =	vand.u32 $0x7, v3;
	v4 =	vand.u32 $0xFFFFFFC0, v62  }
0xa1: {  	v3 =	vor.u32 v3, v4  }
0xa2: {  	v4 =	vperm.xlane v3, v0;
	_ =	sdelay $0x1  }
0xa3: {  	v4 =	vadd.s32 v1, v4;
	_ =	sdelay $0x4  }
0xa4: {  	[tilespmem:s12], [sflag:$0x1] =	stream.indirect_vreg.gather [hbm4b:s3+s2], $0x80, v4, vm0, $0xb8;
	[tilespmem:$0x10100] =	vst v63  }
0xa5: {  	v3 =	vperm.xlane v3, v2  }
0xa6: {  	[tilespmem:s13], [sflag:$0x1] =	stream.indirect_vreg.gather [hbm4b:s4+s2], $0x80, v4, vm0, $0xb8;
	[tilespmem:$0x10100] =	vst v63  }
0xa7: {  	v3 =	vadd.s32 v1, v3  }
0xa8: {  	[tilespmem:s14], [sflag:$0x1] =	stream.indirect_vreg.gather [hbm4b:s5+s2], $0x80, v4, vm0, $0xb8;
	[tilespmem:$0x10100] =	vst v63  }
0xa9: {  	_ = 	snop  }
0xaa: {  	[tilespmem:s15], [sflag:$0x1] =	stream.indirect_vreg.gather [hbm4b:s6+s2], $0x80, v4, vm0, $0xb8;
	[tilespmem:$0x10100] =	vst v63  }
0xab: {  	_ = 	snop  }
0xac: {  	[tilespmem:s16], [sflag:$0x1] =	stream.indirect_vreg.gather [hbm4b:s3+s2], $0x80, v3, vm0, $0xb8;
	[tilespmem:$0x10100] =	vst v63  }
0xad: {  	_ = 	snop  }
0xae: {  	[tilespmem:s17], [sflag:$0x1] =	stream.indirect_vreg.gather [hbm4b:s4+s2], $0x80, v3, vm0, $0xb8;
	[tilespmem:$0x10100] =	vst v63  }
0xaf: {  	_ = 	snop  }
0xb0: {  	[tilespmem:s9], [sflag:$0x1] =	stream.indirect_vreg.gather [hbm4b:s5+s2], $0x80, v3, vm0, $0xb8;
	[tilespmem:$0x10100] =	vst v63  }
0xb1: {  	s19 =	simm.s32 $0xB900  }
0xb2: {  	[tilespmem:s19], [sflag:$0x1] =	stream.indirect_vreg.gather [hbm4b:s6+s2], $0x80, v3, vm0, $0xb8;
	[tilespmem:$0x10100] =	vst v63  }
0xb3: {  	v3 =	vld [tilespmem:$0xB0];
	_ =	sdelay $0x4  }
0xb4: {  	v63 =	vshll.u32 v3, $0x3  }
0xb5: {  	v3 =	vand.u32 $0x7, v3;
	v4 =	vand.u32 $0xFFFFFFC0, v63  }
0xb6: {  	v3 =	vor.u32 v3, v4  }
0xb7: {  	v4 =	vperm.xlane v3, v0;
	_ =	sdelay $0x1  }
0xb8: {  	v4 =	vadd.s32 v1, v4;
	_ =	sdelay $0x3  }
0xb9: {  	s19 =	simm.s32 $0xC100  }
0xba: {  	[tilespmem:s19], [sflag:$0x1] =	stream.indirect_vreg.gather [hbm4b:s3+s2], $0x80, v4, vm0, $0xb8;
	[tilespmem:$0x10100] =	vst v63  }
0xbb: {  	v3 =	vperm.xlane v3, v2;
	s19 =	simm.s32 $0xC900  }
0xbc: {  	[tilespmem:s19], [sflag:$0x1] =	stream.indirect_vreg.gather [hbm4b:s4+s2], $0x80, v4, vm0, $0xb8;
	[tilespmem:$0x10100] =	vst v63  }
0xbd: {  	v3 =	vadd.s32 v1, v3;
	s19 =	simm.s32 $0xD100  }
0xbe: {  	[tilespmem:s19], [sflag:$0x1] =	stream.indirect_vreg.gather [hbm4b:s5+s2], $0x80, v4, vm0, $0xb8;
	[tilespmem:$0x10100] =	vst v63  }
0xbf: {  	s19 =	simm.s32 $0xD900  }
0xc0: {  	[tilespmem:s19], [sflag:$0x1] =	stream.indirect_vreg.gather [hbm4b:s6+s2], $0x80, v4, vm0, $0xb8;
	[tilespmem:$0x10100] =	vst v63  }
0xc1: {  	s19 =	simm.s32 $0xE100  }
0xc2: {  	[tilespmem:s19], [sflag:$0x1] =	stream.indirect_vreg.gather [hbm4b:s3+s2], $0x80, v3, vm0, $0xb8;
	[tilespmem:$0x10100] =	vst v63  }
0xc3: {  	s19 =	simm.s32 $0xE900  }
0xc4: {  	[tilespmem:s19], [sflag:$0x1] =	stream.indirect_vreg.gather [hbm4b:s4+s2], $0x80, v3, vm0, $0xb8;
	[tilespmem:$0x10100] =	vst v63  }
0xc5: {  	s19 =	simm.s32 $0xF100  }
0xc6: {  	[tilespmem:s19], [sflag:$0x1] =	stream.indirect_vreg.gather [hbm4b:s5+s2], $0x80, v3, vm0, $0xb8;
	[tilespmem:$0x10100] =	vst v63  }
0xc7: {  	s19 =	simm.s32 $0xF900  }
0xc8: {  	[tilespmem:s19], [sflag:$0x1] =	stream.indirect_vreg.gather [hbm4b:s6+s2], $0x80, v3, vm0, $0xb8;
	[tilespmem:$0x10100] =	vst v63  }
0xc9: {  	_ =	swait.ge [sflag:s18], $0x10000  }
0xca: {  	p0 =	sne.s32 s7, $0x1;
	[sflag:s18] =	ssyncset.done $0x0  }
.Ltmp0:
0xcb: {  	s1 =	rddreg [dreg:$0x5];
	[sflag:s18] =	ssyncadd.s32 $0xFFFF0000;
	(pc) =	sbr.rel @p0 .LBB2_1-.Ltmp0, $4  }
0xcc: {  	[hbm4b:s1+s2] =	stream.linear.scatter [tilespmem:s0], [sflag:$0x2], $0x10000, $0x38;
	[tilespmem:$0x10100] =	vst v63  }
0xcd: {  	_ =	swait.ge [sflag:s8], $0x10000  }
0xce: {  	[sflag:s8] =	ssyncset.done $0x0  }
0xcf: {  	s7 =	sadd.s32 $0xFFFFFFFF, s7;
	[sflag:s8] =	ssyncadd.s32 $0xFFFF0000  }
0xd0: {  	_ =	sfence.sel $0x180000  }
0xd1: {  	[bflag:$0x0] =	sbarrier.arrive $0xFFFF  }
0xd2: {  	_ =	strace $0x9000004A  }
0xd3: {  	s0 =	stileid.u32;
	[bflag:$0x2] =	sbarrier.arrive $0xFFFF  }
0xd4: {  	p0 =	sne.s32 s0, $0x0;
	s0 =	rddreg [dreg:$0x2]  }
0xd5: {  	s0 =	sadd.s32 @!p0 $0x100000, s0  }
0xd6: {  	[sflag:s0] =	ssyncadd.tile.s32 @!p0 $0x1;
	_ =	shalt  }
.Lfunc_end2:
_tile_overlayer_lowered:
.L_overlay_start_2:
0xd7: {  	(tag) =	ssettag $0x2  }
0xd8: {  	s0 =	rddreg [dreg:$0x0];
	s2 =	stileid.u32  }
0xd9: {  	s1 =	rddreg [dreg:$0x1];
	p0 =	sne.s32 s2, $0x0  }
0xda: {  	s3 =	rddreg [dreg:$0x2];
	[bflag:$0x3] =	sbarrier.arrive $0xFFFF;
	s2 =	simm.s32 @!p0 $0x1C02  }
0xdb: {  	[timem:s3], [sflag:s2] =	dma.local @!p0 [hbm:s0], s1  }
0xdc: {  	s0 =	simm.s32 @!p0 $0x2  }
0xdd: {  	_ =	swait.ge @!p0 [sflag:s0], s1  }
0xde: {  	s1 =	ssub.s32 @!p0 $0x0, s1;
	[sflag:s0] =	ssyncset.done @!p0 $0x0  }
0xdf: {  	[sflag:s0] =	ssyncadd.s32 @!p0 s1  }
0xe0: {  	[bflag:$0x3] =	sbarrier.arrive $0xFFFF  }
0xe1: {  	_ =	shalt  }

// kernel: kernel.8.cloned.1.call-start
scs
__scs_entry_jumppad:
0x0: {  	(pc) =	sbr.rel $0x88, $3  }
0x1: {  	(tag) =	ssettag $0x0;
	lr =	simm.s32 $0x1  }
0x2: {  	[smem:$0x3F99] =	sst lr;
	_ =	strace $0xD0000000  }
0x3: {  	_ = 	snop  }
0x4: {  	_ = 	snop  }
0x5: {  	_ = 	snop  }
0x6: {  	_ = 	snop  }
0x7: {  	_ = 	snop  }
__scs_overlays_trampoline_lowered:
0x8: {  	[smem:$0x3FA8] =	sst s0  }
0x9: {  	[smem:$0x3FA9] =	sst s1  }
0xa: {  	[smem:$0x3FAA] =	sst s2  }
0xb: {  	[smem:$0x3FAB] =	sst s3  }
0xc: {  	[smem:$0x3FAC] =	sst s4  }
0xd: {  	[smem:$0x3FAD] =	sst s5  }
0xe: {  	[smem:$0x3FAE] =	sst s6  }
0xf: {  	[smem:$0x3FAF] =	sst s7  }
0x10: {  	[smem:$0x3FB0] =	sst s8  }
0x11: {  	[smem:$0x3FB1] =	sst s9;
	s0 =	simm.s32 @!p0 $0x0  }
0x12: {  	s1 =	sld [smem:$0x3F97];
	s0 =	simm.s32 @p0 $0x1  }
0x13: {  	[smem:$0x3FB2] =	sst s0;
	s0 =	simm.s32 @!p1 $0x0  }
0x14: {  	s2 =	sld [smem:$0x3F96];
	s0 =	simm.s32 @p1 $0x1  }
0x15: {  	[smem:$0x3FB3] =	sst s0;
	s0 =	simm.s32 @!p2 $0x0  }
0x16: {  	s3 =	sld [smem:$0x3FDB];
	s0 =	simm.s32 @p2 $0x1  }
0x17: {  	s4 =	simm.s32 $0x1BF5;
	[smem:$0x3FB5] =	sst s0  }
0x18: {  	s0 =	sld [smem:$0x3F98];
	_ =	swait.ge [sflag:s4], $0x0  }
0x19: {  	s7 =	sld [smem:$0x3F99]  }
0x1a: {  	s8 =	sadd.s32 $0xFFFFE003, lr  }
0x1b: {  	s9 =	sadd.s32 $0xFFFFFEF7, lr;
	s5 =	simm.s32 $0xFFFFFFFF;
	p2 =	slt.u32 s8, $0xFFFFF086  }
0x1c: {  	p1 =	slt.u32 s9, $0xF7A;
	s5 =	simm.s32 @!p2 $0x0  }
0x1d: {  	s5 =	simm.s32 @p1 $0x1;
	p0 =	seq.s32 s7, s2  }
0x1e: {  	s7 =	smul.u32 @!p0 $0xF7A, s2;
	p2 =	seq.s32 @!p0 s5, $0x0  }
0x1f: {  	s9 =	smul.u32 $0xF7A, s1;
	s8 =	simm.s32 @!p0 $0x1BF5;
	p2 =	por !p2, p0  }
0x20: {  	[sflag:s8] =	ssyncset.s32 @!p0 $0xFFFFF086;
	s6 =	sadd.s32 @!p0 s3, s7;
	s7 =	simm.s32 @!p0 $0x108  }
0x21: {  	s3 =	sadd.s32 s3, s9;
	s6 =	sadd.s32 @!p0 $0x88, s6;
	s7 =	simm.s32 @p2 $0x1082  }
0x22: {  	[simem:s7], [sflag:s8] =	dma.local @!p0 [hbm:s6], $0xF7A  }
0x23: {  	s9 =	sor.u32 $0xD0000000, s2;
	s6 =	simm.s32 $0x108;
	_ =	swait.ge @!p0 [sflag:s8], $0x0  }
0x24: {  	s3 =	sadd.s32 $0x88, s3;
	s6 =	simm.s32 @!p1 $0x1082;
	[sflag:s4] =	ssyncset.s32 $0xFFFFF086  }
0x25: {  	[simem:s6], [sflag:s4] =	dma.local [hbm:s3], $0xF7A  }
0x26: {  	[smem:$0x3F99] =	sst s1;
	(tag) =	ssettag s2;
	_ =	strace s9  }
0x27: {  	s1 =	sld [smem:$0x3FA9]  }
0x28: {  	s2 =	sld [smem:$0x3FAA]  }
0x29: {  	s4 =	sld [smem:$0x3FAC]  }
0x2a: {  	p0 =	seq.s32 s5, $0x0;
	s5 =	sld [smem:$0x3FAD]  }
0x2b: {  	s6 =	sld [smem:$0x3FAE]  }
0x2c: {  	s7 =	sld [smem:$0x3FAF]  }
0x2d: {  	s3 =	simm.s32 $0x108;
	s8 =	sld [smem:$0x3FB0]  }
0x2e: {  	s3 =	simm.s32 @!p0 $0x1082;
	s9 =	sld [smem:$0x3FB1]  }
0x2f: {  	lr =	sadd.s32 s0, s3;
	s0 =	sld [smem:$0x3FA8]  }
0x30: {  	s3 =	sld [smem:$0x3FAB]  }
0x31: {  	[smem:$0x3FB4] =	sst s10  }
0x32: {  	s10 =	sld [smem:$0x3FB2];
	_ =	sdelay $0x3  }
0x33: {  	p0 =	seq.s32 s10, $0x1;
	s10 =	sld [smem:$0x3FB4];
	_ =	sdelay $0x3  }
0x34: {  	[smem:$0x3FB4] =	sst s10  }
0x35: {  	s10 =	sld [smem:$0x3FB3];
	_ =	sdelay $0x3  }
0x36: {  	p1 =	seq.s32 s10, $0x1;
	s10 =	sld [smem:$0x3FB4];
	_ =	sdelay $0x3  }
0x37: {  	[smem:$0x3FB4] =	sst s10  }
0x38: {  	s10 =	sld [smem:$0x3FB5]  }
0x39: {  	_ = 	snop;
	(pc) =	sbr.ind lr, $3  }
0x3a: {  	_ = 	snop  }
0x3b: {  	_ = 	snop  }
0x3c: {  	p2 =	seq.s32 s10, $0x1;
	s10 =	sld [smem:$0x3FB4]  }
0x3d: {  	_ =	shalt  }
0x3e: {  	_ =	shalt  }
0x3f: {  	_ =	shalt  }
0x40: {  	_ =	shalt  }
0x41: {  	_ =	shalt  }
0x42: {  	_ =	shalt  }
0x43: {  	_ =	shalt  }
0x44: {  	_ =	shalt  }
0x45: {  	_ =	shalt  }
0x46: {  	_ =	shalt  }
0x47: {  	_ =	shalt  }
0x48: {  	_ =	shalt  }
0x49: {  	_ =	shalt  }
0x4a: {  	_ =	shalt  }
0x4b: {  	_ =	shalt  }
0x4c: {  	_ =	shalt  }
0x4d: {  	_ =	shalt  }
0x4e: {  	_ =	shalt  }
0x4f: {  	_ =	shalt  }
0x50: {  	_ =	shalt  }
0x51: {  	_ =	shalt  }
0x52: {  	_ =	shalt  }
0x53: {  	_ =	shalt  }
0x54: {  	_ =	shalt  }
0x55: {  	_ =	shalt  }
0x56: {  	_ =	shalt  }
0x57: {  	_ =	shalt  }
0x58: {  	_ =	shalt  }
0x59: {  	_ =	shalt  }
0x5a: {  	_ =	shalt  }
0x5b: {  	_ =	shalt  }
0x5c: {  	_ =	shalt  }
0x5d: {  	_ =	shalt  }
0x5e: {  	_ =	shalt  }
0x5f: {  	_ =	shalt  }
0x60: {  	_ =	shalt  }
0x61: {  	_ =	shalt  }
0x62: {  	_ =	shalt  }
0x63: {  	_ =	shalt  }
0x64: {  	_ =	shalt  }
0x65: {  	_ =	shalt  }
0x66: {  	_ =	shalt  }
0x67: {  	_ =	shalt  }
0x68: {  	_ =	shalt  }
0x69: {  	_ =	shalt  }
0x6a: {  	_ =	shalt  }
0x6b: {  	_ =	shalt  }
0x6c: {  	_ =	shalt  }
0x6d: {  	_ =	shalt  }
0x6e: {  	_ =	shalt  }
0x6f: {  	_ =	shalt  }
0x70: {  	_ =	shalt  }
0x71: {  	_ =	shalt  }
0x72: {  	_ =	shalt  }
0x73: {  	_ =	shalt  }
0x74: {  	_ =	shalt  }
0x75: {  	_ =	shalt  }
0x76: {  	_ =	shalt  }
0x77: {  	_ =	shalt  }
0x78: {  	_ =	shalt  }
0x79: {  	_ =	shalt  }
0x7a: {  	_ =	shalt  }
0x7b: {  	_ =	shalt  }
0x7c: {  	_ =	shalt  }
0x7d: {  	_ =	shalt  }
0x7e: {  	_ =	shalt  }
0x7f: {  	_ =	shalt  }
0x80: {  	_ =	shalt  }
0x81: {  	_ =	shalt  }
0x82: {  	_ =	shalt  }
0x83: {  	_ =	shalt  }
0x84: {  	_ =	shalt  }
0x85: {  	_ =	shalt  }
0x86: {  	_ =	shalt  }
0x87: {  	_ =	shalt  }
.Lfunc_end0:
.L_simem_size_0:
called_computation_lowered:
.L_overlay_start_0:
0x88: {  	s2 =	sld [smem:$0x3FD9]  }
0x89: {  	s3 =	sld [smem:$0x3FFE];
	_ =	sdelay $0x1  }
0x8a: {  	s1 =	srdreg.scid  }
0x8b: {  	s0 =	sand.u32 $0x1, s1  }
0x8c: {  	s17 =	sshll.u32 s0, $0xA;
	s2 =	sadd.s32 s3, s2  }
0x8d: {  	s2 =	sadd.s32 s2, s17  }
0x8e: {  	[smem:$0x3FC0] =	sst s2  }
0x8f: {  	_ = 	snop  }
0x90: {  	s2 =	sld [smem:$0x3FC9]  }
0x91: {  	s18 =	sld [smem:$0x3FD0];
	(tm) =	ssettm $0x1  }
0x92: {  	s4 =	sld [smem:$0x3FFB];
	_ =	sdelay $0x3  }
0x93: {  	_ =	strace s4  }
0x94: {  	s4 =	sld [smem:$0x3FFC];
	_ =	sdelay $0x3  }
0x95: {  	_ =	strace s4  }
0x96: {  	s4 =	sld [smem:$0x3FFD];
	_ =	sdelay $0x3  }
0x97: {  	_ =	strace s4  }
0x98: {  	_ =	strace $0x8FFFFFFF  }
0x99: {  	s19 =	sld [smem:$0x3FDB];
	_ =	sdelay $0x1  }
0x9a: {  	s5 =	simm.s32 $_scs_section_size  }
0x9b: {  	s6 =	simm.s32 $_size__tile_overlayer_lowered;
	s7 =	simm.s32 $_tile_overlayer_lowered  }
0x9c: {  	s22 =	simm.s32 $0x1BFF;
	s21 =	sshll.u32 s7, $0x1;
	s4 =	sadd.s32 s5, s19  }
0x9d: {  	s8 =	simm.s32 $0x0;
	s20 =	sshll.u32 s6, $0x1;
	s6 =	sadd.s32 s21, s4  }
0x9e: {  	[timem:s8], [sflag:s22] =	dma.local [hbm:s6], s20  }
0x9f: {  	_ =	swait.ge [sflag:s22], s20  }
0xa0: {  	s5 =	ssub.s32 $0x0, s20;
	[sflag:s22] =	ssyncset.done $0x0  }
0xa1: {  	[sflag:s22] =	ssyncadd.s32 s5;
	_ =	sdelay $0x1  }
0xa2: {  	s23 =	simm.s32 $0x1B8B  }
0xa3: {  	_ =	swait.ge [sflag:s23], $0x1  }
0xa4: {  	[sflag:s23] =	ssyncset.done $0x0  }
0xa5: {  	s25 =	simm.s32 $0x1B8E;
	s24 =	sld [smem:$0x3FFE];
	[sflag:s23] =	ssyncadd.s32 $0xFFFFFFFF  }
0xa6: {  	s26 =	simm.s32 $execute0_lowered;
	[smem:$0x3FD2] =	sst s25  }
0xa7: {  	s6 =	sshll.u32 s26, $0x1;
	_ =	strace $0x80000046;
	[dreg:$0x1] =	wrdreg $0xFFFFFFFF  }
0xa8: {  	s28 =	simm.s32 $_size_execute0_lowered;
	s4 =	sadd.s32 s4, s6;
	[dreg:$0x0] =	wrdreg $0x0  }
0xa9: {  	s6 =	sshll.u32 s28, $0x1;
	[dreg:$0x2] =	wrdreg s4  }
0xaa: {  	[dreg:$0x3] =	wrdreg s6  }
0xab: {  	[dreg:$0x4] =	wrdreg $0xC0  }
0xac: {  	_ =	task [dreg:s8], $0x5FFFF  }
0xad: {  	[dreg:$0x1] =	wrdreg $0xFFFFFFFF  }
0xae: {  	[dreg:$0x0] =	wrdreg $0x60  }
0xaf: {  	[dreg:$0x2] =	wrdreg s2  }
0xb0: {  	[dreg:$0x3] =	wrdreg s18  }
0xb1: {  	[dreg:$0x4] =	wrdreg s24  }
0xb2: {  	[dreg:$0x5] =	wrdreg $0x9  }
0xb3: {  	_ =	task.clear_ibuf [dreg:s8], $0x6FFFF;
	_ =	strace $0x90000046  }
0xb4: {  	s29 =	simm.s32 $0x9;
	_ =	strace $0x80000048  }
0xb5: {  	_ =	swait.ge [sflag:s29], $0x1  }
0xb6: {  	[sflag:s29] =	ssyncadd.s32 $0xFFFFFFFF  }
0xb7: {  	_ =	strace $0x90000048  }
0xb8: {  	_ =	sfence  }
0xb9: {  	s30 =	sld [smem:$0x0];
	_ =	sdelay $0x2  }
0xba: {  	s31 =	sshll.u32 s1, $0xD;
	s1 =	sshrl.u32 s1, $0x2  }
0xbb: {  	s3 =	sand.u32 $0x4000, s31;
	s1 =	sadd.s32 s1, s30  }
0xbc: {  	s0 =	sor.u32 s3, s0;
	s1 =	sshll.u32 s1, $0x11  }
0xbd: {  	s0 =	sor.u32 s1, s0  }
0xbe: {  	s0 =	sadd.s32 $0x8F2B, s0  }
0xbf: {  	[sflag:s0] =	ssyncadd.remote.s32 $0x1  }
0xc0: {  	_ =	sfence.sel $0xFFFF  }
0xc1: {  	[dreg:$0x0] =	wrdreg $0xFFFFFFFF;
	(pc) =	sbr.abs _section_cstart, $3  }
0xc2: {  	[dreg:$0x1] =	wrdreg $0xFFFFFFFF  }
0xc3: {  	_ =	task.clear_ibuf [dreg:s8], $0x2FFFF;
	_ =	strace $0x9FFFFFFF  }
0xc4: {  	(tm) =	ssettm $0x7FFFFFFF  }
0xc5: {  	_ =	shalt  }
tec
execute0_lowered:
.L_overlay_start_1:
0x0: {  	(tag) =	ssettag $0x1  }
0x1: {  	s0 =	rddreg [dreg:$0x0]  }
0x2: {  	s1 =	rddreg [dreg:$0x1]  }
0x3: {  	s4 =	rddreg [dreg:$0x2];
	s2 =	simm.s32 $0x0;
	s3 =	srdreg.scid  }
0x4: {  	s6 =	stileid.u32;
	s19 =	simm.s32 $0x1;
	s21 =	simm.s32 $0x900  }
0x5: {  	s22 =	simm.s32 $0x1100;
	s23 =	simm.s32 $0x1900;
	s24 =	simm.s32 $0x2100  }
0x6: {  	s28 =	simm.s32 $0x3900;
	s29 =	simm.s32 $0x4100;
	s30 =	simm.s32 $0x4900  }
0x7: {  	s31 =	simm.s32 $0x5100;
	s11 =	simm.s32 $0x6900;
	s12 =	simm.s32 $0x7100  }
0x8: {  	s13 =	simm.s32 $0x8100;
	s14 =	simm.s32 $0x8900;
	s15 =	simm.s32 $0x9100  }
0x9: {  	s16 =	simm.s32 $0x9900;
	s17 =	simm.s32 $0xA100;
	s18 =	simm.s32 $0xA900  }
0xa: {  	s10 =	simm.s32 $0xB100;
	[smem:$0x7FF] =	sst s2;
	s5 =	sand.u32 $0x1, s3  }
0xb: {  	s6 =	sshll.u32 s6, $0x1;
	s3 =	sadd.s32 $0x1400, s4;
	_ =	strace $0x80000047  }
0xc: {  	s7 =	ssub.s32 $0x2, s5;
	s5 =	sor.u32 s5, s6;
	s6 =	sadd.s32 $0x1600, s4  }
0xd: {  	s25 =	sshrl.u32 s7, $0x1;
	s8 =	sshll.u32 s5, $0xE;
	s5 =	sshll.u32 s5, $0x5  }
0xe: {  	s9 =	ssub.s32 s7, s25;
	s26 =	sand.u32 $0x3C000, s8;
	s1 =	sadd.s32 s1, s5  }
0xf: {  	s5 =	sadd.s32 $0x1500, s4;
	s7 =	sadd.s32 $0x1700, s4;
	s25 =	simm.s32 $0x2900  }
0x10: {  	v2 =	vlaneseq.u32;
	s4 =	simm.s32 $0x7900;
	[dreg:$0x4] =	wrdreg s1;
	s0 =	sadd.s32 s0, s26  }
0x11: {  	vm0 =	vmmov $0xffff;
	v1 =	vshrl.u32 v2, $0x3;
	s8 =	smax.u32 s9, $0x1;
	[dreg:$0x6] =	wrdreg s0;
	s0 =	sadd.s32 $0x2000, s0  }
0x12: {  	v0 =	vand.u32 $0x7, v2;
	v2 =	vor.u32 $0x8, v2;
	v1 =	vmul.u32 $0x8, v1;
	s9 =	simm.s32 $0x2;
	s26 =	simm.s32 $0x3100;
	[dreg:$0x5] =	wrdreg s0  }
.LBB2_1:
0x13: {  	s20 =	rddreg [dreg:$0x4]  }
0x14: {  	[tilespmem:s2], [sflag:$0x2] =	stream.linear.gather [hbm4b:s20+s2], $0x100, $0x38;
	[tilespmem:$0x10100] =	vst v63  }
0x15: {  	_ =	swait.ge [sflag:s9], $0x100  }
0x16: {  	[sflag:s9] =	ssyncset.done $0x0  }
0x17: {  	s0 =	simm.s32 $0x100;
	s1 =	rddreg [dreg:$0x6];
	[sflag:s9] =	ssyncadd.s32 $0xFFFFFF00  }
0x18: {  	[tilespmem:s0], [sflag:$0x2] =	stream.linear.gather [hbm4b:s1+s2], $0x10000, $0x38;
	[tilespmem:$0x10100] =	vst v63  }
0x19: {  	_ =	swait.ge [sflag:s9], $0x10000  }
0x1a: {  	[sflag:s9] =	ssyncset.done $0x0  }
0x1b: {  	[sflag:s9] =	ssyncadd.s32 $0xFFFF0000  }
0x1c: {  	v3 =	vld [tilespmem:$0x0];
	_ =	sdelay $0x4  }
0x1d: {  	v4 =	vshll.u32 v3, $0x3  }
0x1e: {  	v3 =	vand.u32 $0x7, v3;
	v4 =	vand.u32 $0xFFFFFFC0, v4  }
0x1f: {  	v3 =	vor.u32 v3, v4  }
0x20: {  	v4 =	vperm.xlane v3, v0;
	_ =	sdelay $0x1  }
0x21: {  	v4 =	vadd.s32 v1, v4;
	_ =	sdelay $0x4  }
0x22: {  	[hbm4b:s3+s2] =	stream.indirect_vreg.scatter [tilespmem:s0], [sflag:$0x1], $0x80, v4, vm0, $0xb8;
	[tilespmem:$0x10100] =	vst v63  }
0x23: {  	v3 =	vperm.xlane v3, v2  }
0x24: {  	[hbm4b:s5+s2] =	stream.indirect_vreg.scatter [tilespmem:s21], [sflag:$0x1], $0x80, v4, vm0, $0xb8;
	[tilespmem:$0x10100] =	vst v63  }
0x25: {  	v3 =	vadd.s32 v1, v3  }
0x26: {  	[hbm4b:s6+s2] =	stream.indirect_vreg.scatter [tilespmem:s22], [sflag:$0x1], $0x80, v4, vm0, $0xb8;
	[tilespmem:$0x10100] =	vst v63  }
0x27: {  	_ = 	snop  }
0x28: {  	[hbm4b:s7+s2] =	stream.indirect_vreg.scatter [tilespmem:s23], [sflag:$0x1], $0x80, v4, vm0, $0xb8;
	[tilespmem:$0x10100] =	vst v63  }
0x29: {  	_ = 	snop  }
0x2a: {  	[hbm4b:s3+s2] =	stream.indirect_vreg.scatter [tilespmem:s24], [sflag:$0x1], $0x80, v3, vm0, $0xb8;
	[tilespmem:$0x10100] =	vst v63  }
0x2b: {  	_ = 	snop  }
0x2c: {  	[hbm4b:s5+s2] =	stream.indirect_vreg.scatter [tilespmem:s25], [sflag:$0x1], $0x80, v3, vm0, $0xb8;
	[tilespmem:$0x10100] =	vst v63  }
0x2d: {  	_ = 	snop  }
0x2e: {  	[hbm4b:s6+s2] =	stream.indirect_vreg.scatter [tilespmem:s26], [sflag:$0x1], $0x80, v3, vm0, $0xb8;
	[tilespmem:$0x10100] =	vst v63  }
0x2f: {  	_ = 	snop  }
0x30: {  	[hbm4b:s7+s2] =	stream.indirect_vreg.scatter [tilespmem:s28], [sflag:$0x1], $0x80, v3, vm0, $0xb8;
	[tilespmem:$0x10100] =	vst v63  }
0x31: {  	v3 =	vld [tilespmem:$0x10];
	_ =	sdelay $0x4  }
0x32: {  	v57 =	vshll.u32 v3, $0x3  }
0x33: {  	v3 =	vand.u32 $0x7, v3;
	v4 =	vand.u32 $0xFFFFFFC0, v57  }
0x34: {  	v3 =	vor.u32 v3, v4  }
0x35: {  	v4 =	vperm.xlane v3, v0;
	_ =	sdelay $0x1  }
0x36: {  	v4 =	vadd.s32 v1, v4;
	_ =	sdelay $0x4  }
0x37: {  	[hbm4b:s3+s2] =	stream.indirect_vreg.scatter [tilespmem:s29], [sflag:$0x1], $0x80, v4, vm0, $0xb8;
	[tilespmem:$0x10100] =	vst v63  }
0x38: {  	v3 =	vperm.xlane v3, v2  }
0x39: {  	[hbm4b:s5+s2] =	stream.indirect_vreg.scatter [tilespmem:s30], [sflag:$0x1], $0x80, v4, vm0, $0xb8;
	[tilespmem:$0x10100] =	vst v63  }
0x3a: {  	v3 =	vadd.s32 v1, v3  }
0x3b: {  	[hbm4b:s6+s2] =	stream.indirect_vreg.scatter [tilespmem:s31], [sflag:$0x1], $0x80, v4, vm0, $0xb8;
	[tilespmem:$0x10100] =	vst v63  }
0x3c: {  	s1 =	simm.s32 $0x5900  }
0x3d: {  	[hbm4b:s7+s2] =	stream.indirect_vreg.scatter [tilespmem:s1], [sflag:$0x1], $0x80, v4, vm0, $0xb8;
	[tilespmem:$0x10100] =	vst v63  }
0x3e: {  	s1 =	simm.s32 $0x6100  }
0x3f: {  	[hbm4b:s3+s2] =	stream.indirect_vreg.scatter [tilespmem:s1], [sflag:$0x1], $0x80, v3, vm0, $0xb8;
	[tilespmem:$0x10100] =	vst v63  }
0x40: {  	_ = 	snop  }
0x41: {  	[hbm4b:s5+s2] =	stream.indirect_vreg.scatter [tilespmem:s11], [sflag:$0x1], $0x80, v3, vm0, $0xb8;
	[tilespmem:$0x10100] =	vst v63  }
0x42: {  	_ = 	snop  }
0x43: {  	[hbm4b:s6+s2] =	stream.indirect_vreg.scatter [tilespmem:s12], [sflag:$0x1], $0x80, v3, vm0, $0xb8;
	[tilespmem:$0x10100] =	vst v63  }
0x44: {  	_ = 	snop  }
0x45: {  	[hbm4b:s7+s2] =	stream.indirect_vreg.scatter [tilespmem:s4], [sflag:$0x1], $0x80, v3, vm0, $0xb8;
	[tilespmem:$0x10100] =	vst v63  }
0x46: {  	v3 =	vld [tilespmem:$0x20];
	_ =	sdelay $0x4  }
0x47: {  	v58 =	vshll.u32 v3, $0x3  }
0x48: {  	v3 =	vand.u32 $0x7, v3;
	v4 =	vand.u32 $0xFFFFFFC0, v58  }
0x49: {  	v3 =	vor.u32 v3, v4  }
0x4a: {  	v4 =	vperm.xlane v3, v0;
	_ =	sdelay $0x1  }
0x4b: {  	v4 =	vadd.s32 v1, v4;
	_ =	sdelay $0x4  }
0x4c: {  	[hbm4b:s3+s2] =	stream.indirect_vreg.scatter [tilespmem:s13], [sflag:$0x1], $0x80, v4, vm0, $0xb8;
	[tilespmem:$0x10100] =	vst v63  }
0x4d: {  	v3 =	vperm.xlane v3, v2  }
0x4e: {  	[hbm4b:s5+s2] =	stream.indirect_vreg.scatter [tilespmem:s14], [sflag:$0x1], $0x80, v4, vm0, $0xb8;
	[tilespmem:$0x10100] =	vst v63  }
0x4f: {  	v3 =	vadd.s32 v1, v3  }
0x50: {  	[hbm4b:s6+s2] =	stream.indirect_vreg.scatter [tilespmem:s15], [sflag:$0x1], $0x80, v4, vm0, $0xb8;
	[tilespmem:$0x10100] =	vst v63  }
0x51: {  	_ = 	snop  }
0x52: {  	[hbm4b:s7+s2] =	stream.indirect_vreg.scatter [tilespmem:s16], [sflag:$0x1], $0x80, v4, vm0, $0xb8;
	[tilespmem:$0x10100] =	vst v63  }
0x53: {  	_ = 	snop  }
0x54: {  	[hbm4b:s3+s2] =	stream.indirect_vreg.scatter [tilespmem:s17], [sflag:$0x1], $0x80, v3, vm0, $0xb8;
	[tilespmem:$0x10100] =	vst v63  }
0x55: {  	_ = 	snop  }
0x56: {  	[hbm4b:s5+s2] =	stream.indirect_vreg.scatter [tilespmem:s18], [sflag:$0x1], $0x80, v3, vm0, $0xb8;
	[tilespmem:$0x10100] =	vst v63  }
0x57: {  	_ = 	snop  }
0x58: {  	[hbm4b:s6+s2] =	stream.indirect_vreg.scatter [tilespmem:s10], [sflag:$0x1], $0x80, v3, vm0, $0xb8;
	[tilespmem:$0x10100] =	vst v63  }
0x59: {  	s20 =	simm.s32 $0xB900  }
0x5a: {  	[hbm4b:s7+s2] =	stream.indirect_vreg.scatter [tilespmem:s20], [sflag:$0x1], $0x80, v3, vm0, $0xb8;
	[tilespmem:$0x10100] =	vst v63  }
0x5b: {  	v3 =	vld [tilespmem:$0x30];
	_ =	sdelay $0x4  }
0x5c: {  	v59 =	vshll.u32 v3, $0x3  }
0x5d: {  	v3 =	vand.u32 $0x7, v3;
	v4 =	vand.u32 $0xFFFFFFC0, v59  }
0x5e: {  	v3 =	vor.u32 v3, v4  }
0x5f: {  	v4 =	vperm.xlane v3, v0;
	_ =	sdelay $0x1  }
0x60: {  	v4 =	vadd.s32 v1, v4;
	_ =	sdelay $0x3  }
0x61: {  	s20 =	simm.s32 $0xC100  }
0x62: {  	[hbm4b:s3+s2] =	stream.indirect_vreg.scatter [tilespmem:s20], [sflag:$0x1], $0x80, v4, vm0, $0xb8;
	[tilespmem:$0x10100] =	vst v63  }
0x63: {  	v3 =	vperm.xlane v3, v2;
	s20 =	simm.s32 $0xC900  }
0x64: {  	[hbm4b:s5+s2] =	stream.indirect_vreg.scatter [tilespmem:s20], [sflag:$0x1], $0x80, v4, vm0, $0xb8;
	[tilespmem:$0x10100] =	vst v63  }
0x65: {  	v3 =	vadd.s32 v1, v3;
	s20 =	simm.s32 $0xD100  }
0x66: {  	[hbm4b:s6+s2] =	stream.indirect_vreg.scatter [tilespmem:s20], [sflag:$0x1], $0x80, v4, vm0, $0xb8;
	[tilespmem:$0x10100] =	vst v63  }
0x67: {  	s20 =	simm.s32 $0xD900  }
0x68: {  	[hbm4b:s7+s2] =	stream.indirect_vreg.scatter [tilespmem:s20], [sflag:$0x1], $0x80, v4, vm0, $0xb8;
	[tilespmem:$0x10100] =	vst v63  }
0x69: {  	s20 =	simm.s32 $0xE100  }
0x6a: {  	[hbm4b:s3+s2] =	stream.indirect_vreg.scatter [tilespmem:s20], [sflag:$0x1], $0x80, v3, vm0, $0xb8;
	[tilespmem:$0x10100] =	vst v63  }
0x6b: {  	s20 =	simm.s32 $0xE900  }
0x6c: {  	[hbm4b:s5+s2] =	stream.indirect_vreg.scatter [tilespmem:s20], [sflag:$0x1], $0x80, v3, vm0, $0xb8;
	[tilespmem:$0x10100] =	vst v63  }
0x6d: {  	s20 =	simm.s32 $0xF100  }
0x6e: {  	[hbm4b:s6+s2] =	stream.indirect_vreg.scatter [tilespmem:s20], [sflag:$0x1], $0x80, v3, vm0, $0xb8;
	[tilespmem:$0x10100] =	vst v63  }
0x6f: {  	s20 =	simm.s32 $0xF900  }
0x70: {  	[hbm4b:s7+s2] =	stream.indirect_vreg.scatter [tilespmem:s20], [sflag:$0x1], $0x80, v3, vm0, $0xb8;
	[tilespmem:$0x10100] =	vst v63  }
0x71: {  	_ =	swait.ge [sflag:s19], $0x10000  }
0x72: {  	[sflag:s19] =	ssyncset.done $0x0  }
0x73: {  	s20 =	rddreg [dreg:$0x5];
	[sflag:s19] =	ssyncadd.s32 $0xFFFF0000  }
0x74: {  	[tilespmem:s0], [sflag:$0x2] =	stream.linear.gather [hbm4b:s20+s2], $0x10000, $0x38;
	[tilespmem:$0x10100] =	vst v63  }
0x75: {  	_ =	swait.ge [sflag:s9], $0x10000  }
0x76: {  	[sflag:s9] =	ssyncset.done $0x0  }
0x77: {  	[sflag:s9] =	ssyncadd.s32 $0xFFFF0000  }
0x78: {  	v3 =	vld [tilespmem:$0x80];
	_ =	sdelay $0x4  }
0x79: {  	v60 =	vshll.u32 v3, $0x3  }
0x7a: {  	v3 =	vand.u32 $0x7, v3;
	v4 =	vand.u32 $0xFFFFFFC0, v60  }
0x7b: {  	v3 =	vor.u32 v3, v4  }
0x7c: {  	v4 =	vperm.xlane v3, v0;
	_ =	sdelay $0x1  }
0x7d: {  	v4 =	vadd.s32 v1, v4;
	_ =	sdelay $0x4  }
0x7e: {  	[hbm4b:s3+s2] =	stream.indirect_vreg.scatter [tilespmem:s0], [sflag:$0x1], $0x80, v4, vm0, $0xb8;
	[tilespmem:$0x10100] =	vst v63  }
0x7f: {  	v3 =	vperm.xlane v3, v2  }
0x80: {  	[hbm4b:s5+s2] =	stream.indirect_vreg.scatter [tilespmem:s21], [sflag:$0x1], $0x80, v4, vm0, $0xb8;
	[tilespmem:$0x10100] =	vst v63  }
0x81: {  	v3 =	vadd.s32 v1, v3  }
0x82: {  	[hbm4b:s6+s2] =	stream.indirect_vreg.scatter [tilespmem:s22], [sflag:$0x1], $0x80, v4, vm0, $0xb8;
	[tilespmem:$0x10100] =	vst v63  }
0x83: {  	_ = 	snop  }
0x84: {  	[hbm4b:s7+s2] =	stream.indirect_vreg.scatter [tilespmem:s23], [sflag:$0x1], $0x80, v4, vm0, $0xb8;
	[tilespmem:$0x10100] =	vst v63  }
0x85: {  	_ = 	snop  }
0x86: {  	[hbm4b:s3+s2] =	stream.indirect_vreg.scatter [tilespmem:s24], [sflag:$0x1], $0x80, v3, vm0, $0xb8;
	[tilespmem:$0x10100] =	vst v63  }
0x87: {  	_ = 	snop  }
0x88: {  	[hbm4b:s5+s2] =	stream.indirect_vreg.scatter [tilespmem:s25], [sflag:$0x1], $0x80, v3, vm0, $0xb8;
	[tilespmem:$0x10100] =	vst v63  }
0x89: {  	_ = 	snop  }
0x8a: {  	[hbm4b:s6+s2] =	stream.indirect_vreg.scatter [tilespmem:s26], [sflag:$0x1], $0x80, v3, vm0, $0xb8;
	[tilespmem:$0x10100] =	vst v63  }
0x8b: {  	_ = 	snop  }
0x8c: {  	[hbm4b:s7+s2] =	stream.indirect_vreg.scatter [tilespmem:s28], [sflag:$0x1], $0x80, v3, vm0, $0xb8;
	[tilespmem:$0x10100] =	vst v63  }
0x8d: {  	v3 =	vld [tilespmem:$0x90];
	_ =	sdelay $0x4  }
0x8e: {  	v61 =	vshll.u32 v3, $0x3  }
0x8f: {  	v3 =	vand.u32 $0x7, v3;
	v4 =	vand.u32 $0xFFFFFFC0, v61  }
0x90: {  	v3 =	vor.u32 v3, v4  }
0x91: {  	v4 =	vperm.xlane v3, v0;
	_ =	sdelay $0x1  }
0x92: {  	v4 =	vadd.s32 v1, v4;
	_ =	sdelay $0x4  }
0x93: {  	[hbm4b:s3+s2] =	stream.indirect_vreg.scatter [tilespmem:s29], [sflag:$0x1], $0x80, v4, vm0, $0xb8;
	[tilespmem:$0x10100] =	vst v63  }
0x94: {  	v3 =	vperm.xlane v3, v2  }
0x95: {  	[hbm4b:s5+s2] =	stream.indirect_vreg.scatter [tilespmem:s30], [sflag:$0x1], $0x80, v4, vm0, $0xb8;
	[tilespmem:$0x10100] =	vst v63  }
0x96: {  	v3 =	vadd.s32 v1, v3  }
0x97: {  	[hbm4b:s6+s2] =	stream.indirect_vreg.scatter [tilespmem:s31], [sflag:$0x1], $0x80, v4, vm0, $0xb8;
	[tilespmem:$0x10100] =	vst v63  }
0x98: {  	s20 =	simm.s32 $0x5900  }
0x99: {  	[hbm4b:s7+s2] =	stream.indirect_vreg.scatter [tilespmem:s20], [sflag:$0x1], $0x80, v4, vm0, $0xb8;
	[tilespmem:$0x10100] =	vst v63  }
0x9a: {  	_ = 	snop  }
0x9b: {  	[hbm4b:s3+s2] =	stream.indirect_vreg.scatter [tilespmem:s1], [sflag:$0x1], $0x80, v3, vm0, $0xb8;
	[tilespmem:$0x10100] =	vst v63  }
0x9c: {  	_ = 	snop  }
0x9d: {  	[hbm4b:s5+s2] =	stream.indirect_vreg.scatter [tilespmem:s11], [sflag:$0x1], $0x80, v3, vm0, $0xb8;
	[tilespmem:$0x10100] =	vst v63  }
0x9e: {  	_ = 	snop  }
0x9f: {  	[hbm4b:s6+s2] =	stream.indirect_vreg.scatter [tilespmem:s12], [sflag:$0x1], $0x80, v3, vm0, $0xb8;
	[tilespmem:$0x10100] =	vst v63  }
0xa0: {  	_ = 	snop  }
0xa1: {  	[hbm4b:s7+s2] =	stream.indirect_vreg.scatter [tilespmem:s4], [sflag:$0x1], $0x80, v3, vm0, $0xb8;
	[tilespmem:$0x10100] =	vst v63  }
0xa2: {  	v3 =	vld [tilespmem:$0xA0];
	_ =	sdelay $0x4  }
0xa3: {  	v62 =	vshll.u32 v3, $0x3  }
0xa4: {  	v3 =	vand.u32 $0x7, v3;
	v4 =	vand.u32 $0xFFFFFFC0, v62  }
0xa5: {  	v3 =	vor.u32 v3, v4  }
0xa6: {  	v4 =	vperm.xlane v3, v0;
	_ =	sdelay $0x1  }
0xa7: {  	v4 =	vadd.s32 v1, v4;
	_ =	sdelay $0x4  }
0xa8: {  	[hbm4b:s3+s2] =	stream.indirect_vreg.scatter [tilespmem:s13], [sflag:$0x1], $0x80, v4, vm0, $0xb8;
	[tilespmem:$0x10100] =	vst v63  }
0xa9: {  	v3 =	vperm.xlane v3, v2  }
0xaa: {  	[hbm4b:s5+s2] =	stream.indirect_vreg.scatter [tilespmem:s14], [sflag:$0x1], $0x80, v4, vm0, $0xb8;
	[tilespmem:$0x10100] =	vst v63  }
0xab: {  	v3 =	vadd.s32 v1, v3  }
0xac: {  	[hbm4b:s6+s2] =	stream.indirect_vreg.scatter [tilespmem:s15], [sflag:$0x1], $0x80, v4, vm0, $0xb8;
	[tilespmem:$0x10100] =	vst v63  }
0xad: {  	_ = 	snop  }
0xae: {  	[hbm4b:s7+s2] =	stream.indirect_vreg.scatter [tilespmem:s16], [sflag:$0x1], $0x80, v4, vm0, $0xb8;
	[tilespmem:$0x10100] =	vst v63  }
0xaf: {  	_ = 	snop  }
0xb0: {  	[hbm4b:s3+s2] =	stream.indirect_vreg.scatter [tilespmem:s17], [sflag:$0x1], $0x80, v3, vm0, $0xb8;
	[tilespmem:$0x10100] =	vst v63  }
0xb1: {  	_ = 	snop  }
0xb2: {  	[hbm4b:s5+s2] =	stream.indirect_vreg.scatter [tilespmem:s18], [sflag:$0x1], $0x80, v3, vm0, $0xb8;
	[tilespmem:$0x10100] =	vst v63  }
0xb3: {  	_ = 	snop  }
0xb4: {  	[hbm4b:s6+s2] =	stream.indirect_vreg.scatter [tilespmem:s10], [sflag:$0x1], $0x80, v3, vm0, $0xb8;
	[tilespmem:$0x10100] =	vst v63  }
0xb5: {  	s20 =	simm.s32 $0xB900  }
0xb6: {  	[hbm4b:s7+s2] =	stream.indirect_vreg.scatter [tilespmem:s20], [sflag:$0x1], $0x80, v3, vm0, $0xb8;
	[tilespmem:$0x10100] =	vst v63  }
0xb7: {  	v3 =	vld [tilespmem:$0xB0];
	_ =	sdelay $0x4  }
0xb8: {  	v63 =	vshll.u32 v3, $0x3  }
0xb9: {  	v3 =	vand.u32 $0x7, v3;
	v4 =	vand.u32 $0xFFFFFFC0, v63  }
0xba: {  	v3 =	vor.u32 v3, v4  }
0xbb: {  	v4 =	vperm.xlane v3, v0;
	_ =	sdelay $0x1  }
0xbc: {  	v4 =	vadd.s32 v1, v4;
	_ =	sdelay $0x3  }
0xbd: {  	s1 =	simm.s32 $0xC100  }
0xbe: {  	[hbm4b:s3+s2] =	stream.indirect_vreg.scatter [tilespmem:s1], [sflag:$0x1], $0x80, v4, vm0, $0xb8;
	[tilespmem:$0x10100] =	vst v63  }
0xbf: {  	s20 =	simm.s32 $0xC900;
	v3 =	vperm.xlane v3, v2  }
0xc0: {  	[hbm4b:s5+s2] =	stream.indirect_vreg.scatter [tilespmem:s20], [sflag:$0x1], $0x80, v4, vm0, $0xb8;
	[tilespmem:$0x10100] =	vst v63  }
0xc1: {  	v3 =	vadd.s32 v1, v3;
	s1 =	simm.s32 $0xD100  }
0xc2: {  	[hbm4b:s6+s2] =	stream.indirect_vreg.scatter [tilespmem:s1], [sflag:$0x1], $0x80, v4, vm0, $0xb8;
	[tilespmem:$0x10100] =	vst v63  }
0xc3: {  	s20 =	simm.s32 $0xD900  }
0xc4: {  	[hbm4b:s7+s2] =	stream.indirect_vreg.scatter [tilespmem:s20], [sflag:$0x1], $0x80, v4, vm0, $0xb8;
	[tilespmem:$0x10100] =	vst v63  }
0xc5: {  	s1 =	simm.s32 $0xE100  }
0xc6: {  	[hbm4b:s3+s2] =	stream.indirect_vreg.scatter [tilespmem:s1], [sflag:$0x1], $0x80, v3, vm0, $0xb8;
	[tilespmem:$0x10100] =	vst v63  }
0xc7: {  	s20 =	simm.s32 $0xE900  }
0xc8: {  	[hbm4b:s5+s2] =	stream.indirect_vreg.scatter [tilespmem:s20], [sflag:$0x1], $0x80, v3, vm0, $0xb8;
	[tilespmem:$0x10100] =	vst v63  }
0xc9: {  	p0 =	sne.s32 s8, $0x1;
	s1 =	simm.s32 $0xF100  }
0xca: {  	[hbm4b:s6+s2] =	stream.indirect_vreg.scatter [tilespmem:s1], [sflag:$0x1], $0x80, v3, vm0, $0xb8;
	[tilespmem:$0x10100] =	vst v63  }
.Ltmp0:
0xcb: {  	s20 =	simm.s32 $0xF900;
	(pc) =	sbr.rel @p0 .LBB2_1-.Ltmp0, $4  }
0xcc: {  	[hbm4b:s7+s2] =	stream.indirect_vreg.scatter [tilespmem:s20], [sflag:$0x1], $0x80, v3, vm0, $0xb8;
	[tilespmem:$0x10100] =	vst v63  }
0xcd: {  	_ =	swait.ge [sflag:s19], $0x10000  }
0xce: {  	[sflag:s19] =	ssyncset.done $0x0  }
0xcf: {  	s8 =	sadd.s32 $0xFFFFFFFF, s8;
	[sflag:s19] =	ssyncadd.s32 $0xFFFF0000  }
0xd0: {  	_ =	sfence.sel $0x180000  }
0xd1: {  	[bflag:$0x0] =	sbarrier.arrive $0xFFFF  }
0xd2: {  	_ =	strace $0x90000047  }
0xd3: {  	s0 =	stileid.u32;
	[bflag:$0x2] =	sbarrier.arrive $0xFFFF  }
0xd4: {  	p0 =	sne.s32 s0, $0x0;
	s0 =	rddreg [dreg:$0x3]  }
0xd5: {  	s0 =	sadd.s32 @!p0 $0x100000, s0  }
0xd6: {  	[sflag:s0] =	ssyncadd.tile.s32 @!p0 $0x1;
	_ =	shalt  }
.Lfunc_end2:
_tile_overlayer_lowered:
.L_overlay_start_2:
0xd7: {  	(tag) =	ssettag $0x2  }
0xd8: {  	s0 =	rddreg [dreg:$0x0];
	s2 =	stileid.u32  }
0xd9: {  	s1 =	rddreg [dreg:$0x1];
	p0 =	sne.s32 s2, $0x0  }
0xda: {  	s3 =	rddreg [dreg:$0x2];
	[bflag:$0x3] =	sbarrier.arrive $0xFFFF;
	s2 =	simm.s32 @!p0 $0x1C02  }
0xdb: {  	[timem:s3], [sflag:s2] =	dma.local @!p0 [hbm:s0], s1  }
0xdc: {  	s0 =	simm.s32 @!p0 $0x2  }
0xdd: {  	_ =	swait.ge @!p0 [sflag:s0], s1  }
0xde: {  	s1 =	ssub.s32 @!p0 $0x0, s1;
	[sflag:s0] =	ssyncset.done @!p0 $0x0  }
0xdf: {  	[sflag:s0] =	ssyncadd.s32 @!p0 s1  }
0xe0: {  	[bflag:$0x3] =	sbarrier.arrive $0xFFFF  }
0xe1: {  	_ =	shalt  }

</sc_bundles>
